<compile_context>
chip_gen: v7x
topology: tpu7x:2x2x1
jax: 0.10.2.dev20260603
libtpu: 0.0.44.dev20260713+nightly
codegen_flags: <defaults>
</compile_context>

<pallas_src>
import functools

import jax
import jax.numpy as jnp
from jax import lax
from jax.experimental import pallas as pl
from jax.experimental.pallas import tpu as pltpu
from jax.experimental.pallas import tpu_sc as plsc

NUM_CLASSES = 1000000
EMBED_DIM = 64
BATCH = 16384

NC = 2
NS = 16
NW = NC * NS

B_PER_W = BATCH // NW
LANES = 128
CHUNK_K = 6
CW = CHUNK_K * LANES
NBLK = (NUM_CLASSES + LANES - 1) // LANES
MAX_K0 = NBLK - CHUNK_K


@functools.partial(
    pl.kernel,
    mesh=plsc.VectorSubcoreMesh(core_axis_name="c", subcore_axis_name="s"),
    out_type=jax.ShapeDtypeStruct((BATCH, EMBED_DIM), jnp.float32),
    scratch_types=[
        pltpu.VMEM((B_PER_W,), jnp.int32),
        pltpu.VMEM((B_PER_W,), jnp.int32),
        pltpu.VMEM((2, EMBED_DIM, CW), jnp.float32),
        pltpu.VMEM((16, EMBED_DIM), jnp.float32),
        pltpu.SemaphoreType.DMA,
        pltpu.SemaphoreType.DMA,
        pltpu.SemaphoreType.DMA,
    ],
    compiler_params=pltpu.CompilerParams(needs_layout_passes=False),
)
def _gather_scan(table_hbm, idx_hbm, ord_hbm, out_hbm,
                 idx_v, ord_v, buf_v, ring_v, sem_a, sem_b, out_sem):
    wid = lax.axis_index("s") * NC + lax.axis_index("c")
    base = wid * B_PER_W
    pltpu.sync_copy(idx_hbm.at[pl.ds(base, B_PER_W)], idx_v)
    pltpu.sync_copy(ord_hbm.at[pl.ds(base, B_PER_W)], ord_v)

    lane_ids = jnp.arange(16, dtype=jnp.int32)
    row_ids = [lane_ids + 16 * t for t in range(EMBED_DIM // 16)]
    zeros16 = jnp.zeros((16,), jnp.int32)

    def at(ref, i):
        return plsc.load_gather(ref, [jnp.full((16,), i, jnp.int32)])[0]

    kf = at(idx_v, 0) >> 7
    klast = at(idx_v, B_PER_W - 1) >> 7
    n_c = lax.div(klast - kf, CHUNK_K) + 1
    kf128 = kf * LANES

    def kstart(c):
        return pl.multiple_of(jnp.minimum(kf + CHUNK_K * c, MAX_K0) * LANES, LANES)

    def fire(c, p, sem):
        pltpu.async_copy(
            table_hbm.at[:, pl.ds(kstart(c), CW)], buf_v.at[p], sem
        )

    def drain(p, sem):
        pltpu.make_async_copy(
            table_hbm.at[:, pl.ds(0, CW)], buf_v.at[p], sem
        ).wait()

    def extract_window(c, p, ptr):
        ks0 = kstart(c)
        be = kf128 + (c + 1) * CW

        def cond(i):
            lab = at(idx_v, jnp.minimum(i, B_PER_W - 1))
            return (i < B_PER_W) & (lab < be)

        def lab_body(i):
            lab = at(idx_v, i)
            bo = at(ord_v, i)
            col = jnp.full((16,), lab - ks0, jnp.int32)
            slot = lax.rem(i, 16)
            sl16 = jnp.full((16,), slot, jnp.int32)
            for t in range(EMBED_DIM // 16):
                vals = plsc.load_gather(buf_v.at[p], [row_ids[t], col])
                plsc.store_scatter(ring_v, [sl16, row_ids[t]], vals)

            @pl.when(i >= 16)
            def _():
                pltpu.make_async_copy(
                    out_hbm.at[pl.ds(base, 1)], ring_v.at[pl.ds(0, 1)], out_sem
                ).wait()

            pltpu.async_copy(
                ring_v.at[pl.ds(slot, 1)], out_hbm.at[pl.ds(bo, 1)], out_sem
            )
            return i + 1

        return lax.while_loop(cond, lab_body, ptr)

    fire(0, 0, sem_a)

    def body(c, ptr):
        def even(ptr):
            @pl.when(c + 1 < n_c)
            def _():
                fire(c + 1, 1, sem_b)

            drain(0, sem_a)
            return extract_window(c, 0, ptr)

        def odd(ptr):
            @pl.when(c + 1 < n_c)
            def _():
                fire(c + 1, 0, sem_a)

            drain(1, sem_b)
            return extract_window(c, 1, ptr)

        return lax.cond(lax.rem(c, 2) == 0, even, odd, ptr)

    lax.fori_loop(0, n_c, body, 0)

    for _ in range(16):
        pltpu.make_async_copy(
            out_hbm.at[pl.ds(base, 1)], ring_v.at[pl.ds(0, 1)], out_sem
        ).wait()


def kernel(labels, embedding_table):
    iota = jnp.arange(BATCH, dtype=jnp.int32)
    slab, order = lax.sort((labels.astype(jnp.int32), iota), num_keys=1)
    return _gather_scan(embedding_table.T, slab, order)

# --- scband reference (transcript-rebuilt; emitter-appended) ---
"""Pipeline reference for scband-label-embedder-58823872086283 (READ-ONLY COPY).

The authoritative reference and input builder live on the scoring server;
editing this copy changes nothing except your own understanding.
"""

import jax, jax.numpy as jnp
import numpy as np

NUM_CLASSES = 1000000
EMBED_DIM = 64
BATCH = 16384

def setup_inputs(seed: int = 0) -> dict:
    key = jax.random.key(seed)
    k1, k2 = jax.random.split(key)
    labels = jax.random.randint(k1, (BATCH,), 0, NUM_CLASSES, dtype=jnp.int64 if jax.config.jax_enable_x64 else jnp.int32)
    # drop_prob = 0.0 -> use_cfg False -> table has exactly NUM_CLASSES rows
    embedding_table = jax.random.normal(k2, (NUM_CLASSES, EMBED_DIM), dtype=jnp.float32) * 0.02
    return {"labels": labels, "embedding_table": embedding_table}

def reference(labels, embedding_table):
    # drop_prob == 0.0 so use_cfg is False; drop_labels is identity and
    # the forward is a plain embedding lookup.
    embeddings = jnp.take(embedding_table, labels, axis=0)
    return embeddings

if __name__ == "__main__":
    import jax
    _d = setup_inputs()
    print(jax.jit(kernel)(*tuple(_d.values())))

</pallas_src>

<mosaic_0001>
#map = affine_map<(d0, d1) -> (0, 0)>
#map1 = affine_map<(d0, d1) -> (0)>
module attributes {stable_mosaic.version = 14 : i64} {
  func.func @_gather_scan(%arg0: i32, %arg1: i32, %arg2: memref<64x1000000xf32, #tpu.memory_space<hbm>>, %arg3: memref<16384xi32, #tpu.memory_space<hbm>>, %arg4: memref<16384xi32, #tpu.memory_space<hbm>>, %arg5: memref<16384x64xf32, #tpu.memory_space<hbm>>, %arg6: memref<512xi32, #tpu.memory_space<vmem>>, %arg7: memref<512xi32, #tpu.memory_space<vmem>>, %arg8: memref<2x64x768xf32, #tpu.memory_space<vmem>>, %arg9: memref<16x64xf32, #tpu.memory_space<vmem>>, %arg10: memref<!tpu.dma_semaphore, #tpu.memory_space<semaphore_mem>>, %arg11: memref<!tpu.dma_semaphore, #tpu.memory_space<semaphore_mem>>, %arg12: memref<!tpu.dma_semaphore, #tpu.memory_space<semaphore_mem>>) attributes {dimension_semantics = [#tpu.dimension_semantics<core_parallel>, #tpu.dimension_semantics<subcore_parallel>], iteration_bounds = array<i64: 2, 16>, scalar_prefetch = 0 : i64, scratch_operands = 7 : i64, tpu.core_type = #tpu.core_type<sc_vector_subcore>, window_params = [{transform_indices = #map}, {transform_indices = #map1}, {transform_indices = #map1}, {transform_indices = #map}]} {
    %mul3A = arith.constant 2 : i32
    %mul3A_0 = arith.muli %arg1, %mul3A : i32
    %add3A = arith.addi %mul3A_0, %arg0 : i32
    %mul3A_1 = arith.constant 512 : i32
    %mul3A_2 = arith.muli %add3A, %mul3A_1 : i32
    "tpu.region"() ({
      %run_scoped3A = tpu.sem_alloc : memref<!tpu.dma_semaphore, #tpu.memory_space<semaphore_mem>>
      %dma_start3A_218 = tpu.memref_slice %arg3[%mul3A_2] : memref<16384xi32, #tpu.memory_space<hbm>> -> memref<512xi32, #tpu.memory_space<hbm>>
      %dma_start3A_219 = tpu.memref_slice %arg3[%mul3A_2] : memref<16384xi32, #tpu.memory_space<hbm>> -> memref<512xi32, #tpu.memory_space<hbm>>
      tpu.enqueue_dma source(%dma_start3A_219 : memref<512xi32, #tpu.memory_space<hbm>>) target(%arg6 : memref<512xi32, #tpu.memory_space<vmem>>) target_semaphore(%run_scoped3A : memref<!tpu.dma_semaphore, #tpu.memory_space<semaphore_mem>>)
      %dma_wait3A_220 = tpu.memref_slice %arg3[%mul3A_2] : memref<16384xi32, #tpu.memory_space<hbm>> -> memref<512xi32, #tpu.memory_space<hbm>>
      %dma_wait3A_221 = tpu.memref_slice %arg3[%mul3A_2] : memref<16384xi32, #tpu.memory_space<hbm>> -> memref<512xi32, #tpu.memory_space<hbm>>
      tpu.wait_dma2 semaphore(%run_scoped3A : memref<!tpu.dma_semaphore, #tpu.memory_space<semaphore_mem>>) src(%dma_wait3A_221 : memref<512xi32, #tpu.memory_space<hbm>>) dst(%arg6 : memref<512xi32, #tpu.memory_space<vmem>>)
      tpu.yield
    }) : () -> ()
    "tpu.region"() ({
      %run_scoped3A = tpu.sem_alloc : memref<!tpu.dma_semaphore, #tpu.memory_space<semaphore_mem>>
      %dma_start3A_218 = tpu.memref_slice %arg4[%mul3A_2] : memref<16384xi32, #tpu.memory_space<hbm>> -> memref<512xi32, #tpu.memory_space<hbm>>
      %dma_start3A_219 = tpu.memref_slice %arg4[%mul3A_2] : memref<16384xi32, #tpu.memory_space<hbm>> -> memref<512xi32, #tpu.memory_space<hbm>>
      tpu.enqueue_dma source(%dma_start3A_219 : memref<512xi32, #tpu.memory_space<hbm>>) target(%arg7 : memref<512xi32, #tpu.memory_space<vmem>>) target_semaphore(%run_scoped3A : memref<!tpu.dma_semaphore, #tpu.memory_space<semaphore_mem>>)
      %dma_wait3A_220 = tpu.memref_slice %arg4[%mul3A_2] : memref<16384xi32, #tpu.memory_space<hbm>> -> memref<512xi32, #tpu.memory_space<hbm>>
      %dma_wait3A_221 = tpu.memref_slice %arg4[%mul3A_2] : memref<16384xi32, #tpu.memory_space<hbm>> -> memref<512xi32, #tpu.memory_space<hbm>>
      tpu.wait_dma2 semaphore(%run_scoped3A : memref<!tpu.dma_semaphore, #tpu.memory_space<semaphore_mem>>) src(%dma_wait3A_221 : memref<512xi32, #tpu.memory_space<hbm>>) dst(%arg7 : memref<512xi32, #tpu.memory_space<vmem>>)
      tpu.yield
    }) : () -> ()
    %iota3A = tpu.iota {dimensions = array<i32: 0>} : vector<16xi32>
    %add3A_3 = arith.constant 0 : i32
    %add3A_4 = vector.broadcast %add3A_3 : i32 to vector<16xi32>
    %add3A_5 = arith.addi %iota3A, %add3A_4 : vector<16xi32>
    %add3A_6 = arith.constant 16 : i32
    %add3A_7 = vector.broadcast %add3A_6 : i32 to vector<16xi32>
    %add3A_8 = arith.addi %iota3A, %add3A_7 : vector<16xi32>
    %add3A_9 = arith.constant 32 : i32
    %add3A_10 = vector.broadcast %add3A_9 : i32 to vector<16xi32>
    %add3A_11 = arith.addi %iota3A, %add3A_10 : vector<16xi32>
    %add3A_12 = arith.constant 48 : i32
    %add3A_13 = vector.broadcast %add3A_12 : i32 to vector<16xi32>
    %add3A_14 = arith.addi %iota3A, %add3A_13 : vector<16xi32>
    %broadcast_in_dim3A = arith.constant 0 : i32
    %broadcast_in_dim3A_15 = vector.broadcast %broadcast_in_dim3A : i32 to vector<16xi32>
    %broadcast_in_dim3A_16 = arith.constant 0 : i32
    %broadcast_in_dim3A_17 = vector.broadcast %broadcast_in_dim3A_16 : i32 to vector<16xi32>
    %gather3A = tpu.vector_load_idx %arg6[%broadcast_in_dim3A_17] : memref<512xi32, #tpu.memory_space<vmem>>[vector<16xi32>], vector<16xi32>,
    %slice3A = vector.extract_strided_slice %gather3A {offsets = [0], sizes = [1], strides = [1]} : vector<16xi32> to vector<1xi32>
    %squeeze3A = vector.extract %slice3A[0] : i32 from vector<1xi32>
    %shift_right_arithmetic3A = arith.constant 7 : i32
    %shift_right_arithmetic3A_18 = arith.shrsi %squeeze3A, %shift_right_arithmetic3A : i32
    %broadcast_in_dim3A_19 = arith.constant 511 : i32
    %broadcast_in_dim3A_20 = vector.broadcast %broadcast_in_dim3A_19 : i32 to vector<16xi32>
    %gather3A_21 = tpu.vector_load_idx %arg6[%broadcast_in_dim3A_20] : memref<512xi32, #tpu.memory_space<vmem>>[vector<16xi32>], vector<16xi32>,
    %slice3A_22 = vector.extract_strided_slice %gather3A_21 {offsets = [0], sizes = [1], strides = [1]} : vector<16xi32> to vector<1xi32>
    %squeeze3A_23 = vector.extract %slice3A_22[0] : i32 from vector<1xi32>
    %shift_right_arithmetic3A_24 = arith.constant 7 : i32
    %shift_right_arithmetic3A_25 = arith.shrsi %squeeze3A_23, %shift_right_arithmetic3A_24 : i32
    %sub3A = arith.subi %shift_right_arithmetic3A_25, %shift_right_arithmetic3A_18 : i32
    %div3A = arith.constant 6 : i32
    %div3A_26 = arith.divsi %sub3A, %div3A : i32
    %add3A_27 = arith.constant 1 : i32
    %add3A_28 = arith.addi %div3A_26, %add3A_27 : i32
    %mul3A_29 = arith.constant 128 : i32
    %mul3A_30 = arith.muli %shift_right_arithmetic3A_18, %mul3A_29 : i32
    %add3A_31 = arith.constant 0 : i32
    %add3A_32 = arith.addi %shift_right_arithmetic3A_18, %add3A_31 : i32
    %min3A = arith.constant 7807 : i32
    %min3A_33 = arith.minsi %add3A_32, %min3A : i32
    %mul3A_34 = arith.constant 128 : i32
    %mul3A_35 = arith.muli %min3A_33, %mul3A_34 : i32
    %multiple_of3A = tpu.assume_multiple %mul3A_35, 128 : i32
    %dma_start3A = arith.constant 0 : i32
    %dma_start3A_36 = arith.constant 0 : i32
    %dma_start3A_37 = arith.constant 0 : i32
    %dma_start3A_38 = tpu.memref_slice %arg8[%dma_start3A, %dma_start3A_36, %dma_start3A_37] : memref<2x64x768xf32, #tpu.memory_space<vmem>> -> memref<1x64x768xf32, #tpu.memory_space<vmem>>
    %dma_start3A_39 = tpu.memref_squeeze %dma_start3A_38 : memref<1x64x768xf32, #tpu.memory_space<vmem>> -> memref<64x768xf32, #tpu.memory_space<vmem>>
    %dma_start3A_40 = arith.constant 0 : i32
    %dma_start3A_41 = tpu.memref_slice %arg2[%dma_start3A_40, %multiple_of3A] : memref<64x1000000xf32, #tpu.memory_space<hbm>> -> memref<64x768xf32, #tpu.memory_space<hbm>>
    %dma_start3A_42 = arith.constant 0 : i32
    %dma_start3A_43 = arith.constant 0 : i32
    %dma_start3A_44 = tpu.memref_slice %arg8[%dma_start3A, %dma_start3A_42, %dma_start3A_43] : memref<2x64x768xf32, #tpu.memory_space<vmem>> -> memref<1x64x768xf32, #tpu.memory_space<vmem>>
    %dma_start3A_45 = tpu.memref_squeeze %dma_start3A_44 : memref<1x64x768xf32, #tpu.memory_space<vmem>> -> memref<64x768xf32, #tpu.memory_space<vmem>>
    %dma_start3A_46 = arith.constant 0 : i32
    %dma_start3A_47 = tpu.memref_slice %arg2[%dma_start3A_46, %multiple_of3A] : memref<64x1000000xf32, #tpu.memory_space<hbm>> -> memref<64x768xf32, #tpu.memory_space<hbm>>
    tpu.enqueue_dma source(%dma_start3A_47 : memref<64x768xf32, #tpu.memory_space<hbm>>) target(%dma_start3A_45 : memref<64x768xf32, #tpu.memory_space<vmem>>) target_semaphore(%arg10 : memref<!tpu.dma_semaphore, #tpu.memory_space<semaphore_mem>>)
    %while3A = arith.constant 0 : i32
    %while3A_48 = arith.constant 0 : i32
    %while3A_49 = arith.subi %add3A_28, %while3A : i32
    %while3A_50 = arith.addi %while3A, %while3A_49 : i32
    %while3A_51 = arith.constant 1 : i32
    %while3A_52 = arith.divsi %while3A_49, %while3A_51 : i32
    %while3A_53 = arith.muli %while3A_52, %while3A_51 : i32
    %while3A_54 = arith.addi %while3A, %while3A_53 : i32
    %while3A_55 = arith.constant 1 : i32
    %while3A_56 = scf.for %while3A_218 = %while3A to %while3A_54 step %while3A_55 iter_args(%while3A_219 = %while3A_48) -> (i32)  : i32 {
      %rem3A = arith.constant 2 : i32
      %rem3A_220 = arith.remsi %while3A_218, %rem3A : i32
      %eq3A = arith.constant 0 : i32
      %eq3A_221 = arith.cmpi eq, %rem3A_220, %eq3A : i32
      %convert_element_type3A = arith.extui %eq3A_221 : i1 to i32
      %cond3A = arith.constant 0 : i32
      %cond3A_222 = arith.cmpi ne, %convert_element_type3A, %cond3A : i32
      %cond3A_223 = scf.if %cond3A_222 -> (i32) {
        %add3A_224 = arith.constant 1 : i32
        %add3A_225 = arith.addi %while3A_218, %add3A_224 : i32
        %lt3A = arith.cmpi slt, %add3A_225, %add3A_28 : i32
        %convert_element_type3A_226 = arith.extui %lt3A : i1 to i32
        %cond3A_227 = arith.constant 0 : i32
        %cond3A_228 = arith.cmpi ne, %convert_element_type3A_226, %cond3A_227 : i32
        scf.if %cond3A_228 {
          %add3A_258 = arith.constant 1 : i32
          %add3A_259 = arith.addi %while3A_218, %add3A_258 : i32
          %mul3A_260 = arith.constant 6 : i32
          %mul3A_261 = arith.muli %mul3A_260, %add3A_259 : i32
          %add3A_262 = arith.addi %shift_right_arithmetic3A_18, %mul3A_261 : i32
          %min3A_263 = arith.constant 7807 : i32
          %min3A_264 = arith.minsi %add3A_262, %min3A_263 : i32
          %mul3A_265 = arith.constant 128 : i32
          %mul3A_266 = arith.muli %min3A_264, %mul3A_265 : i32
          %multiple_of3A_267 = tpu.assume_multiple %mul3A_266, 128 : i32
          %dma_start3A_268 = arith.constant 1 : i32
          %dma_start3A_269 = arith.constant 0 : i32
          %dma_start3A_270 = arith.constant 0 : i32
          %dma_start3A_271 = tpu.memref_slice %arg8[%dma_start3A_268, %dma_start3A_269, %dma_start3A_270] : memref<2x64x768xf32, #tpu.memory_space<vmem>> -> memref<1x64x768xf32, #tpu.memory_space<vmem>>
          %dma_start3A_272 = tpu.memref_squeeze %dma_start3A_271 : memref<1x64x768xf32, #tpu.memory_space<vmem>> -> memref<64x768xf32, #tpu.memory_space<vmem>>
          %dma_start3A_273 = arith.constant 0 : i32
          %dma_start3A_274 = tpu.memref_slice %arg2[%dma_start3A_273, %multiple_of3A_267] : memref<64x1000000xf32, #tpu.memory_space<hbm>> -> memref<64x768xf32, #tpu.memory_space<hbm>>
          %dma_start3A_275 = arith.constant 0 : i32
          %dma_start3A_276 = arith.constant 0 : i32
          %dma_start3A_277 = tpu.memref_slice %arg8[%dma_start3A_268, %dma_start3A_275, %dma_start3A_276] : memref<2x64x768xf32, #tpu.memory_space<vmem>> -> memref<1x64x768xf32, #tpu.memory_space<vmem>>
          %dma_start3A_278 = tpu.memref_squeeze %dma_start3A_277 : memref<1x64x768xf32, #tpu.memory_space<vmem>> -> memref<64x768xf32, #tpu.memory_space<vmem>>
          %dma_start3A_279 = arith.constant 0 : i32
          %dma_start3A_280 = tpu.memref_slice %arg2[%dma_start3A_279, %multiple_of3A_267] : memref<64x1000000xf32, #tpu.memory_space<hbm>> -> memref<64x768xf32, #tpu.memory_space<hbm>>
          tpu.enqueue_dma source(%dma_start3A_280 : memref<64x768xf32, #tpu.memory_space<hbm>>) target(%dma_start3A_278 : memref<64x768xf32, #tpu.memory_space<vmem>>) target_semaphore(%arg11 : memref<!tpu.dma_semaphore, #tpu.memory_space<semaphore_mem>>)
        } else {
        }
        %dma_wait3A_229 = arith.constant 0 : i32
        %dma_wait3A_230 = arith.constant 0 : i32
        %dma_wait3A_231 = arith.constant 0 : i32
        %dma_wait3A_232 = tpu.memref_slice %arg8[%dma_wait3A_229, %dma_wait3A_230, %dma_wait3A_231] : memref<2x64x768xf32, #tpu.memory_space<vmem>> -> memref<1x64x768xf32, #tpu.memory_space<vmem>>
        %dma_wait3A_233 = tpu.memref_squeeze %dma_wait3A_232 : memref<1x64x768xf32, #tpu.memory_space<vmem>> -> memref<64x768xf32, #tpu.memory_space<vmem>>
        %dma_wait3A_234 = arith.constant 0 : i32
        %dma_wait3A_235 = arith.constant 0 : i32
        %dma_wait3A_236 = tpu.memref_slice %arg2[%dma_wait3A_234, %dma_wait3A_235] : memref<64x1000000xf32, #tpu.memory_space<hbm>> -> memref<64x768xf32, #tpu.memory_space<hbm>>
        %dma_wait3A_237 = arith.constant 0 : i32
        %dma_wait3A_238 = arith.constant 0 : i32
        %dma_wait3A_239 = tpu.memref_slice %arg8[%dma_wait3A_229, %dma_wait3A_237, %dma_wait3A_238] : memref<2x64x768xf32, #tpu.memory_space<vmem>> -> memref<1x64x768xf32, #tpu.memory_space<vmem>>
        %dma_wait3A_240 = tpu.memref_squeeze %dma_wait3A_239 : memref<1x64x768xf32, #tpu.memory_space<vmem>> -> memref<64x768xf32, #tpu.memory_space<vmem>>
        %dma_wait3A_241 = arith.constant 0 : i32
        %dma_wait3A_242 = arith.constant 0 : i32
        %dma_wait3A_243 = tpu.memref_slice %arg2[%dma_wait3A_241, %dma_wait3A_242] : memref<64x1000000xf32, #tpu.memory_space<hbm>> -> memref<64x768xf32, #tpu.memory_space<hbm>>
        tpu.wait_dma2 semaphore(%arg10 : memref<!tpu.dma_semaphore, #tpu.memory_space<semaphore_mem>>) src(%dma_wait3A_243 : memref<64x768xf32, #tpu.memory_space<hbm>>) dst(%dma_wait3A_240 : memref<64x768xf32, #tpu.memory_space<vmem>>)
        %mul3A_244 = arith.constant 6 : i32
        %mul3A_245 = arith.muli %mul3A_244, %while3A_218 : i32
        %add3A_246 = arith.addi %shift_right_arithmetic3A_18, %mul3A_245 : i32
        %min3A_247 = arith.constant 7807 : i32
        %min3A_248 = arith.minsi %add3A_246, %min3A_247 : i32
        %mul3A_249 = arith.constant 128 : i32
        %mul3A_250 = arith.muli %min3A_248, %mul3A_249 : i32
        %multiple_of3A_251 = tpu.assume_multiple %mul3A_250, 128 : i32
        %add3A_252 = arith.constant 1 : i32
        %add3A_253 = arith.addi %while3A_218, %add3A_252 : i32
        %mul3A_254 = arith.constant 768 : i32
        %mul3A_255 = arith.muli %add3A_253, %mul3A_254 : i32
        %add3A_256 = arith.addi %mul3A_30, %mul3A_255 : i32
        %while3A_257 = scf.while (%while3A_258 = %while3A_219) : (i32) -> i32 {
          %min3A_259 = arith.constant 511 : i32
          %min3A_260 = arith.minsi %while3A_258, %min3A_259 : i32
          %broadcast_in_dim3A_261 = vector.broadcast %min3A_260 : i32 to vector<16xi32>
          %gather3A_262 = tpu.vector_load_idx %arg6[%broadcast_in_dim3A_261] : memref<512xi32, #tpu.memory_space<vmem>>[vector<16xi32>], vector<16xi32>,
          %slice3A_263 = vector.extract_strided_slice %gather3A_262 {offsets = [0], sizes = [1], strides = [1]} : vector<16xi32> to vector<1xi32>
          %squeeze3A_264 = vector.extract %slice3A_263[0] : i32 from vector<1xi32>
          %lt3A_265 = arith.constant 512 : i32
          %lt3A_266 = arith.cmpi slt, %while3A_258, %lt3A_265 : i32
          %lt3A_267 = arith.cmpi slt, %squeeze3A_264, %add3A_256 : i32
          %and3A = arith.andi %lt3A_266, %lt3A_267 : i1
          scf.condition(%and3A) %while3A_258 : i32
        } do {
        ^bb0(%while3A_258: i32):
          %broadcast_in_dim3A_259 = vector.broadcast %while3A_258 : i32 to vector<16xi32>
          %gather3A_260 = tpu.vector_load_idx %arg6[%broadcast_in_dim3A_259] : memref<512xi32, #tpu.memory_space<vmem>>[vector<16xi32>], vector<16xi32>,
          %slice3A_261 = vector.extract_strided_slice %gather3A_260 {offsets = [0], sizes = [1], strides = [1]} : vector<16xi32> to vector<1xi32>
          %squeeze3A_262 = vector.extract %slice3A_261[0] : i32 from vector<1xi32>
          %broadcast_in_dim3A_263 = vector.broadcast %while3A_258 : i32 to vector<16xi32>
          %gather3A_264 = tpu.vector_load_idx %arg7[%broadcast_in_dim3A_263] : memref<512xi32, #tpu.memory_space<vmem>>[vector<16xi32>], vector<16xi32>,
          %slice3A_265 = vector.extract_strided_slice %gather3A_264 {offsets = [0], sizes = [1], strides = [1]} : vector<16xi32> to vector<1xi32>
          %squeeze3A_266 = vector.extract %slice3A_265[0] : i32 from vector<1xi32>
          %sub3A_267 = arith.subi %squeeze3A_262, %multiple_of3A_251 : i32
          %broadcast_in_dim3A_268 = vector.broadcast %sub3A_267 : i32 to vector<16xi32>
          %rem3A_269 = arith.constant 16 : i32
          %rem3A_270 = arith.remsi %while3A_258, %rem3A_269 : i32
          %broadcast_in_dim3A_271 = vector.broadcast %rem3A_270 : i32 to vector<16xi32>
          %gather3A_272 = arith.constant 0 : i32
          %gather3A_273 = arith.constant 0 : i32
          %gather3A_274 = arith.constant 0 : i32
          %gather3A_275 = tpu.memref_slice %arg8[%gather3A_272, %gather3A_273, %gather3A_274] : memref<2x64x768xf32, #tpu.memory_space<vmem>> -> memref<1x64x768xf32, #tpu.memory_space<vmem>>
          %gather3A_276 = tpu.memref_squeeze %gather3A_275 : memref<1x64x768xf32, #tpu.memory_space<vmem>> -> memref<64x768xf32, #tpu.memory_space<vmem>>
          %gather3A_277 = tpu.vector_load_idx %gather3A_276[%add3A_5, %broadcast_in_dim3A_268] : memref<64x768xf32, #tpu.memory_space<vmem>>[vector<16xi32>, vector<16xi32>], vector<16xf32>,
          tpu.vector_store_idx %arg9[%broadcast_in_dim3A_271, %add3A_5], %gather3A_277 : memref<16x64xf32, #tpu.memory_space<vmem>>[vector<16xi32>, vector<16xi32>], vector<16xf32>,
          %gather3A_278 = arith.constant 0 : i32
          %gather3A_279 = arith.constant 0 : i32
          %gather3A_280 = arith.constant 0 : i32
          %gather3A_281 = tpu.memref_slice %arg8[%gather3A_278, %gather3A_279, %gather3A_280] : memref<2x64x768xf32, #tpu.memory_space<vmem>> -> memref<1x64x768xf32, #tpu.memory_space<vmem>>
          %gather3A_282 = tpu.memref_squeeze %gather3A_281 : memref<1x64x768xf32, #tpu.memory_space<vmem>> -> memref<64x768xf32, #tpu.memory_space<vmem>>
          %gather3A_283 = tpu.vector_load_idx %gather3A_282[%add3A_8, %broadcast_in_dim3A_268] : memref<64x768xf32, #tpu.memory_space<vmem>>[vector<16xi32>, vector<16xi32>], vector<16xf32>,
          tpu.vector_store_idx %arg9[%broadcast_in_dim3A_271, %add3A_8], %gather3A_283 : memref<16x64xf32, #tpu.memory_space<vmem>>[vector<16xi32>, vector<16xi32>], vector<16xf32>,
          %gather3A_284 = arith.constant 0 : i32
          %gather3A_285 = arith.constant 0 : i32
          %gather3A_286 = arith.constant 0 : i32
          %gather3A_287 = tpu.memref_slice %arg8[%gather3A_284, %gather3A_285, %gather3A_286] : memref<2x64x768xf32, #tpu.memory_space<vmem>> -> memref<1x64x768xf32, #tpu.memory_space<vmem>>
          %gather3A_288 = tpu.memref_squeeze %gather3A_287 : memref<1x64x768xf32, #tpu.memory_space<vmem>> -> memref<64x768xf32, #tpu.memory_space<vmem>>
          %gather3A_289 = tpu.vector_load_idx %gather3A_288[%add3A_11, %broadcast_in_dim3A_268] : memref<64x768xf32, #tpu.memory_space<vmem>>[vector<16xi32>, vector<16xi32>], vector<16xf32>,
          tpu.vector_store_idx %arg9[%broadcast_in_dim3A_271, %add3A_11], %gather3A_289 : memref<16x64xf32, #tpu.memory_space<vmem>>[vector<16xi32>, vector<16xi32>], vector<16xf32>,
          %gather3A_290 = arith.constant 0 : i32
          %gather3A_291 = arith.constant 0 : i32
          %gather3A_292 = arith.constant 0 : i32
          %gather3A_293 = tpu.memref_slice %arg8[%gather3A_290, %gather3A_291, %gather3A_292] : memref<2x64x768xf32, #tpu.memory_space<vmem>> -> memref<1x64x768xf32, #tpu.memory_space<vmem>>
          %gather3A_294 = tpu.memref_squeeze %gather3A_293 : memref<1x64x768xf32, #tpu.memory_space<vmem>> -> memref<64x768xf32, #tpu.memory_space<vmem>>
          %gather3A_295 = tpu.vector_load_idx %gather3A_294[%add3A_14, %broadcast_in_dim3A_268] : memref<64x768xf32, #tpu.memory_space<vmem>>[vector<16xi32>, vector<16xi32>], vector<16xf32>,
          tpu.vector_store_idx %arg9[%broadcast_in_dim3A_271, %add3A_14], %gather3A_295 : memref<16x64xf32, #tpu.memory_space<vmem>>[vector<16xi32>, vector<16xi32>], vector<16xf32>,
          %ge3A = arith.constant 16 : i32
          %ge3A_296 = arith.cmpi sge, %while3A_258, %ge3A : i32
          %convert_element_type3A_297 = arith.extui %ge3A_296 : i1 to i32
          %cond3A_298 = arith.constant 0 : i32
          %cond3A_299 = arith.cmpi ne, %convert_element_type3A_297, %cond3A_298 : i32
          scf.if %cond3A_299 {
            %dma_wait3A_310 = arith.constant 0 : i32
            %dma_wait3A_311 = arith.constant 0 : i32
            %dma_wait3A_312 = tpu.memref_slice %arg9[%dma_wait3A_310, %dma_wait3A_311] : memref<16x64xf32, #tpu.memory_space<vmem>> -> memref<1x64xf32, #tpu.memory_space<vmem>>
            %dma_wait3A_313 = arith.constant 0 : i32
            %dma_wait3A_314 = tpu.memref_slice %arg5[%mul3A_2, %dma_wait3A_313] : memref<16384x64xf32, #tpu.memory_space<hbm>> -> memref<1x64xf32, #tpu.memory_space<hbm>>
            %dma_wait3A_315 = arith.constant 0 : i32
            %dma_wait3A_316 = arith.constant 0 : i32
            %dma_wait3A_317 = tpu.memref_slice %arg9[%dma_wait3A_315, %dma_wait3A_316] : memref<16x64xf32, #tpu.memory_space<vmem>> -> memref<1x64xf32, #tpu.memory_space<vmem>>
            %dma_wait3A_318 = arith.constant 0 : i32
            %dma_wait3A_319 = tpu.memref_slice %arg5[%mul3A_2, %dma_wait3A_318] : memref<16384x64xf32, #tpu.memory_space<hbm>> -> memref<1x64xf32, #tpu.memory_space<hbm>>
            tpu.wait_dma2 semaphore(%arg12 : memref<!tpu.dma_semaphore, #tpu.memory_space<semaphore_mem>>) src(%dma_wait3A_319 : memref<1x64xf32, #tpu.memory_space<hbm>>) dst(%dma_wait3A_317 : memref<1x64xf32, #tpu.memory_space<vmem>>)
          } else {
          }
          %dma_start3A_300 = arith.constant 0 : i32
          %dma_start3A_301 = tpu.memref_slice %arg9[%rem3A_270, %dma_start3A_300] : memref<16x64xf32, #tpu.memory_space<vmem>> -> memref<1x64xf32, #tpu.memory_space<vmem>>
          %dma_start3A_302 = arith.constant 0 : i32
          %dma_start3A_303 = tpu.memref_slice %arg5[%squeeze3A_266, %dma_start3A_302] : memref<16384x64xf32, #tpu.memory_space<hbm>> -> memref<1x64xf32, #tpu.memory_space<hbm>>
          %dma_start3A_304 = arith.constant 0 : i32
          %dma_start3A_305 = tpu.memref_slice %arg5[%squeeze3A_266, %dma_start3A_304] : memref<16384x64xf32, #tpu.memory_space<hbm>> -> memref<1x64xf32, #tpu.memory_space<hbm>>
          %dma_start3A_306 = arith.constant 0 : i32
          %dma_start3A_307 = tpu.memref_slice %arg9[%rem3A_270, %dma_start3A_306] : memref<16x64xf32, #tpu.memory_space<vmem>> -> memref<1x64xf32, #tpu.memory_space<vmem>>
          tpu.enqueue_dma source(%dma_start3A_307 : memref<1x64xf32, #tpu.memory_space<vmem>>) target(%dma_start3A_305 : memref<1x64xf32, #tpu.memory_space<hbm>>) target_semaphore(%arg12 : memref<!tpu.dma_semaphore, #tpu.memory_space<semaphore_mem>>)
          %add3A_308 = arith.constant 1 : i32
          %add3A_309 = arith.addi %while3A_258, %add3A_308 : i32
          scf.yield %add3A_309 : i32
        }
        scf.yield %while3A_257 : i32
      } else {
        %add3A_224 = arith.constant 1 : i32
        %add3A_225 = arith.addi %while3A_218, %add3A_224 : i32
        %lt3A = arith.cmpi slt, %add3A_225, %add3A_28 : i32
        %convert_element_type3A_226 = arith.extui %lt3A : i1 to i32
        %cond3A_227 = arith.constant 0 : i32
        %cond3A_228 = arith.cmpi ne, %convert_element_type3A_226, %cond3A_227 : i32
        scf.if %cond3A_228 {
          %add3A_258 = arith.constant 1 : i32
          %add3A_259 = arith.addi %while3A_218, %add3A_258 : i32
          %mul3A_260 = arith.constant 6 : i32
          %mul3A_261 = arith.muli %mul3A_260, %add3A_259 : i32
          %add3A_262 = arith.addi %shift_right_arithmetic3A_18, %mul3A_261 : i32
          %min3A_263 = arith.constant 7807 : i32
          %min3A_264 = arith.minsi %add3A_262, %min3A_263 : i32
          %mul3A_265 = arith.constant 128 : i32
          %mul3A_266 = arith.muli %min3A_264, %mul3A_265 : i32
          %multiple_of3A_267 = tpu.assume_multiple %mul3A_266, 128 : i32
          %dma_start3A_268 = arith.constant 0 : i32
          %dma_start3A_269 = arith.constant 0 : i32
          %dma_start3A_270 = arith.constant 0 : i32
          %dma_start3A_271 = tpu.memref_slice %arg8[%dma_start3A_268, %dma_start3A_269, %dma_start3A_270] : memref<2x64x768xf32, #tpu.memory_space<vmem>> -> memref<1x64x768xf32, #tpu.memory_space<vmem>>
          %dma_start3A_272 = tpu.memref_squeeze %dma_start3A_271 : memref<1x64x768xf32, #tpu.memory_space<vmem>> -> memref<64x768xf32, #tpu.memory_space<vmem>>
          %dma_start3A_273 = arith.constant 0 : i32
          %dma_start3A_274 = tpu.memref_slice %arg2[%dma_start3A_273, %multiple_of3A_267] : memref<64x1000000xf32, #tpu.memory_space<hbm>> -> memref<64x768xf32, #tpu.memory_space<hbm>>
          %dma_start3A_275 = arith.constant 0 : i32
          %dma_start3A_276 = arith.constant 0 : i32
          %dma_start3A_277 = tpu.memref_slice %arg8[%dma_start3A_268, %dma_start3A_275, %dma_start3A_276] : memref<2x64x768xf32, #tpu.memory_space<vmem>> -> memref<1x64x768xf32, #tpu.memory_space<vmem>>
          %dma_start3A_278 = tpu.memref_squeeze %dma_start3A_277 : memref<1x64x768xf32, #tpu.memory_space<vmem>> -> memref<64x768xf32, #tpu.memory_space<vmem>>
          %dma_start3A_279 = arith.constant 0 : i32
          %dma_start3A_280 = tpu.memref_slice %arg2[%dma_start3A_279, %multiple_of3A_267] : memref<64x1000000xf32, #tpu.memory_space<hbm>> -> memref<64x768xf32, #tpu.memory_space<hbm>>
          tpu.enqueue_dma source(%dma_start3A_280 : memref<64x768xf32, #tpu.memory_space<hbm>>) target(%dma_start3A_278 : memref<64x768xf32, #tpu.memory_space<vmem>>) target_semaphore(%arg10 : memref<!tpu.dma_semaphore, #tpu.memory_space<semaphore_mem>>)
        } else {
        }
        %dma_wait3A_229 = arith.constant 1 : i32
        %dma_wait3A_230 = arith.constant 0 : i32
        %dma_wait3A_231 = arith.constant 0 : i32
        %dma_wait3A_232 = tpu.memref_slice %arg8[%dma_wait3A_229, %dma_wait3A_230, %dma_wait3A_231] : memref<2x64x768xf32, #tpu.memory_space<vmem>> -> memref<1x64x768xf32, #tpu.memory_space<vmem>>
        %dma_wait3A_233 = tpu.memref_squeeze %dma_wait3A_232 : memref<1x64x768xf32, #tpu.memory_space<vmem>> -> memref<64x768xf32, #tpu.memory_space<vmem>>
        %dma_wait3A_234 = arith.constant 0 : i32
        %dma_wait3A_235 = arith.constant 0 : i32
        %dma_wait3A_236 = tpu.memref_slice %arg2[%dma_wait3A_234, %dma_wait3A_235] : memref<64x1000000xf32, #tpu.memory_space<hbm>> -> memref<64x768xf32, #tpu.memory_space<hbm>>
        %dma_wait3A_237 = arith.constant 0 : i32
        %dma_wait3A_238 = arith.constant 0 : i32
        %dma_wait3A_239 = tpu.memref_slice %arg8[%dma_wait3A_229, %dma_wait3A_237, %dma_wait3A_238] : memref<2x64x768xf32, #tpu.memory_space<vmem>> -> memref<1x64x768xf32, #tpu.memory_space<vmem>>
        %dma_wait3A_240 = tpu.memref_squeeze %dma_wait3A_239 : memref<1x64x768xf32, #tpu.memory_space<vmem>> -> memref<64x768xf32, #tpu.memory_space<vmem>>
        %dma_wait3A_241 = arith.constant 0 : i32
        %dma_wait3A_242 = arith.constant 0 : i32
        %dma_wait3A_243 = tpu.memref_slice %arg2[%dma_wait3A_241, %dma_wait3A_242] : memref<64x1000000xf32, #tpu.memory_space<hbm>> -> memref<64x768xf32, #tpu.memory_space<hbm>>
        tpu.wait_dma2 semaphore(%arg11 : memref<!tpu.dma_semaphore, #tpu.memory_space<semaphore_mem>>) src(%dma_wait3A_243 : memref<64x768xf32, #tpu.memory_space<hbm>>) dst(%dma_wait3A_240 : memref<64x768xf32, #tpu.memory_space<vmem>>)
        %mul3A_244 = arith.constant 6 : i32
        %mul3A_245 = arith.muli %mul3A_244, %while3A_218 : i32
        %add3A_246 = arith.addi %shift_right_arithmetic3A_18, %mul3A_245 : i32
        %min3A_247 = arith.constant 7807 : i32
        %min3A_248 = arith.minsi %add3A_246, %min3A_247 : i32
        %mul3A_249 = arith.constant 128 : i32
        %mul3A_250 = arith.muli %min3A_248, %mul3A_249 : i32
        %multiple_of3A_251 = tpu.assume_multiple %mul3A_250, 128 : i32
        %add3A_252 = arith.constant 1 : i32
        %add3A_253 = arith.addi %while3A_218, %add3A_252 : i32
        %mul3A_254 = arith.constant 768 : i32
        %mul3A_255 = arith.muli %add3A_253, %mul3A_254 : i32
        %add3A_256 = arith.addi %mul3A_30, %mul3A_255 : i32
        %while3A_257 = scf.while (%while3A_258 = %while3A_219) : (i32) -> i32 {
          %min3A_259 = arith.constant 511 : i32
          %min3A_260 = arith.minsi %while3A_258, %min3A_259 : i32
          %broadcast_in_dim3A_261 = vector.broadcast %min3A_260 : i32 to vector<16xi32>
          %gather3A_262 = tpu.vector_load_idx %arg6[%broadcast_in_dim3A_261] : memref<512xi32, #tpu.memory_space<vmem>>[vector<16xi32>], vector<16xi32>,
          %slice3A_263 = vector.extract_strided_slice %gather3A_262 {offsets = [0], sizes = [1], strides = [1]} : vector<16xi32> to vector<1xi32>
          %squeeze3A_264 = vector.extract %slice3A_263[0] : i32 from vector<1xi32>
          %lt3A_265 = arith.constant 512 : i32
          %lt3A_266 = arith.cmpi slt, %while3A_258, %lt3A_265 : i32
          %lt3A_267 = arith.cmpi slt, %squeeze3A_264, %add3A_256 : i32
          %and3A = arith.andi %lt3A_266, %lt3A_267 : i1
          scf.condition(%and3A) %while3A_258 : i32
        } do {
        ^bb0(%while3A_258: i32):
          %broadcast_in_dim3A_259 = vector.broadcast %while3A_258 : i32 to vector<16xi32>
          %gather3A_260 = tpu.vector_load_idx %arg6[%broadcast_in_dim3A_259] : memref<512xi32, #tpu.memory_space<vmem>>[vector<16xi32>], vector<16xi32>,
          %slice3A_261 = vector.extract_strided_slice %gather3A_260 {offsets = [0], sizes = [1], strides = [1]} : vector<16xi32> to vector<1xi32>
          %squeeze3A_262 = vector.extract %slice3A_261[0] : i32 from vector<1xi32>
          %broadcast_in_dim3A_263 = vector.broadcast %while3A_258 : i32 to vector<16xi32>
          %gather3A_264 = tpu.vector_load_idx %arg7[%broadcast_in_dim3A_263] : memref<512xi32, #tpu.memory_space<vmem>>[vector<16xi32>], vector<16xi32>,
          %slice3A_265 = vector.extract_strided_slice %gather3A_264 {offsets = [0], sizes = [1], strides = [1]} : vector<16xi32> to vector<1xi32>
          %squeeze3A_266 = vector.extract %slice3A_265[0] : i32 from vector<1xi32>
          %sub3A_267 = arith.subi %squeeze3A_262, %multiple_of3A_251 : i32
          %broadcast_in_dim3A_268 = vector.broadcast %sub3A_267 : i32 to vector<16xi32>
          %rem3A_269 = arith.constant 16 : i32
          %rem3A_270 = arith.remsi %while3A_258, %rem3A_269 : i32
          %broadcast_in_dim3A_271 = vector.broadcast %rem3A_270 : i32 to vector<16xi32>
          %gather3A_272 = arith.constant 1 : i32
          %gather3A_273 = arith.constant 0 : i32
          %gather3A_274 = arith.constant 0 : i32
          %gather3A_275 = tpu.memref_slice %arg8[%gather3A_272, %gather3A_273, %gather3A_274] : memref<2x64x768xf32, #tpu.memory_space<vmem>> -> memref<1x64x768xf32, #tpu.memory_space<vmem>>
          %gather3A_276 = tpu.memref_squeeze %gather3A_275 : memref<1x64x768xf32, #tpu.memory_space<vmem>> -> memref<64x768xf32, #tpu.memory_space<vmem>>
          %gather3A_277 = tpu.vector_load_idx %gather3A_276[%add3A_5, %broadcast_in_dim3A_268] : memref<64x768xf32, #tpu.memory_space<vmem>>[vector<16xi32>, vector<16xi32>], vector<16xf32>,
          tpu.vector_store_idx %arg9[%broadcast_in_dim3A_271, %add3A_5], %gather3A_277 : memref<16x64xf32, #tpu.memory_space<vmem>>[vector<16xi32>, vector<16xi32>], vector<16xf32>,
          %gather3A_278 = arith.constant 1 : i32
          %gather3A_279 = arith.constant 0 : i32
          %gather3A_280 = arith.constant 0 : i32
          %gather3A_281 = tpu.memref_slice %arg8[%gather3A_278, %gather3A_279, %gather3A_280] : memref<2x64x768xf32, #tpu.memory_space<vmem>> -> memref<1x64x768xf32, #tpu.memory_space<vmem>>
          %gather3A_282 = tpu.memref_squeeze %gather3A_281 : memref<1x64x768xf32, #tpu.memory_space<vmem>> -> memref<64x768xf32, #tpu.memory_space<vmem>>
          %gather3A_283 = tpu.vector_load_idx %gather3A_282[%add3A_8, %broadcast_in_dim3A_268] : memref<64x768xf32, #tpu.memory_space<vmem>>[vector<16xi32>, vector<16xi32>], vector<16xf32>,
          tpu.vector_store_idx %arg9[%broadcast_in_dim3A_271, %add3A_8], %gather3A_283 : memref<16x64xf32, #tpu.memory_space<vmem>>[vector<16xi32>, vector<16xi32>], vector<16xf32>,
          %gather3A_284 = arith.constant 1 : i32
          %gather3A_285 = arith.constant 0 : i32
          %gather3A_286 = arith.constant 0 : i32
          %gather3A_287 = tpu.memref_slice %arg8[%gather3A_284, %gather3A_285, %gather3A_286] : memref<2x64x768xf32, #tpu.memory_space<vmem>> -> memref<1x64x768xf32, #tpu.memory_space<vmem>>
          %gather3A_288 = tpu.memref_squeeze %gather3A_287 : memref<1x64x768xf32, #tpu.memory_space<vmem>> -> memref<64x768xf32, #tpu.memory_space<vmem>>
          %gather3A_289 = tpu.vector_load_idx %gather3A_288[%add3A_11, %broadcast_in_dim3A_268] : memref<64x768xf32, #tpu.memory_space<vmem>>[vector<16xi32>, vector<16xi32>], vector<16xf32>,
          tpu.vector_store_idx %arg9[%broadcast_in_dim3A_271, %add3A_11], %gather3A_289 : memref<16x64xf32, #tpu.memory_space<vmem>>[vector<16xi32>, vector<16xi32>], vector<16xf32>,
          %gather3A_290 = arith.constant 1 : i32
          %gather3A_291 = arith.constant 0 : i32
          %gather3A_292 = arith.constant 0 : i32
          %gather3A_293 = tpu.memref_slice %arg8[%gather3A_290, %gather3A_291, %gather3A_292] : memref<2x64x768xf32, #tpu.memory_space<vmem>> -> memref<1x64x768xf32, #tpu.memory_space<vmem>>
          %gather3A_294 = tpu.memref_squeeze %gather3A_293 : memref<1x64x768xf32, #tpu.memory_space<vmem>> -> memref<64x768xf32, #tpu.memory_space<vmem>>
          %gather3A_295 = tpu.vector_load_idx %gather3A_294[%add3A_14, %broadcast_in_dim3A_268] : memref<64x768xf32, #tpu.memory_space<vmem>>[vector<16xi32>, vector<16xi32>], vector<16xf32>,
          tpu.vector_store_idx %arg9[%broadcast_in_dim3A_271, %add3A_14], %gather3A_295 : memref<16x64xf32, #tpu.memory_space<vmem>>[vector<16xi32>, vector<16xi32>], vector<16xf32>,
          %ge3A = arith.constant 16 : i32
          %ge3A_296 = arith.cmpi sge, %while3A_258, %ge3A : i32
          %convert_element_type3A_297 = arith.extui %ge3A_296 : i1 to i32
          %cond3A_298 = arith.constant 0 : i32
          %cond3A_299 = arith.cmpi ne, %convert_element_type3A_297, %cond3A_298 : i32
          scf.if %cond3A_299 {
            %dma_wait3A_310 = arith.constant 0 : i32
            %dma_wait3A_311 = arith.constant 0 : i32
            %dma_wait3A_312 = tpu.memref_slice %arg9[%dma_wait3A_310, %dma_wait3A_311] : memref<16x64xf32, #tpu.memory_space<vmem>> -> memref<1x64xf32, #tpu.memory_space<vmem>>
            %dma_wait3A_313 = arith.constant 0 : i32
            %dma_wait3A_314 = tpu.memref_slice %arg5[%mul3A_2, %dma_wait3A_313] : memref<16384x64xf32, #tpu.memory_space<hbm>> -> memref<1x64xf32, #tpu.memory_space<hbm>>
            %dma_wait3A_315 = arith.constant 0 : i32
            %dma_wait3A_316 = arith.constant 0 : i32
            %dma_wait3A_317 = tpu.memref_slice %arg9[%dma_wait3A_315, %dma_wait3A_316] : memref<16x64xf32, #tpu.memory_space<vmem>> -> memref<1x64xf32, #tpu.memory_space<vmem>>
            %dma_wait3A_318 = arith.constant 0 : i32
            %dma_wait3A_319 = tpu.memref_slice %arg5[%mul3A_2, %dma_wait3A_318] : memref<16384x64xf32, #tpu.memory_space<hbm>> -> memref<1x64xf32, #tpu.memory_space<hbm>>
            tpu.wait_dma2 semaphore(%arg12 : memref<!tpu.dma_semaphore, #tpu.memory_space<semaphore_mem>>) src(%dma_wait3A_319 : memref<1x64xf32, #tpu.memory_space<hbm>>) dst(%dma_wait3A_317 : memref<1x64xf32, #tpu.memory_space<vmem>>)
          } else {
          }
          %dma_start3A_300 = arith.constant 0 : i32
          %dma_start3A_301 = tpu.memref_slice %arg9[%rem3A_270, %dma_start3A_300] : memref<16x64xf32, #tpu.memory_space<vmem>> -> memref<1x64xf32, #tpu.memory_space<vmem>>
          %dma_start3A_302 = arith.constant 0 : i32
          %dma_start3A_303 = tpu.memref_slice %arg5[%squeeze3A_266, %dma_start3A_302] : memref<16384x64xf32, #tpu.memory_space<hbm>> -> memref<1x64xf32, #tpu.memory_space<hbm>>
          %dma_start3A_304 = arith.constant 0 : i32
          %dma_start3A_305 = tpu.memref_slice %arg5[%squeeze3A_266, %dma_start3A_304] : memref<16384x64xf32, #tpu.memory_space<hbm>> -> memref<1x64xf32, #tpu.memory_space<hbm>>
          %dma_start3A_306 = arith.constant 0 : i32
          %dma_start3A_307 = tpu.memref_slice %arg9[%rem3A_270, %dma_start3A_306] : memref<16x64xf32, #tpu.memory_space<vmem>> -> memref<1x64xf32, #tpu.memory_space<vmem>>
          tpu.enqueue_dma source(%dma_start3A_307 : memref<1x64xf32, #tpu.memory_space<vmem>>) target(%dma_start3A_305 : memref<1x64xf32, #tpu.memory_space<hbm>>) target_semaphore(%arg12 : memref<!tpu.dma_semaphore, #tpu.memory_space<semaphore_mem>>)
          %add3A_308 = arith.constant 1 : i32
          %add3A_309 = arith.addi %while3A_258, %add3A_308 : i32
          scf.yield %add3A_309 : i32
        }
        scf.yield %while3A_257 : i32
      }
      scf.yield %cond3A_223 : i32
    }
    %while3A_57 = arith.constant 1 : i32
    %while3A_58 = scf.for %while3A_218 = %while3A_54 to %while3A_50 step %while3A_57 iter_args(%while3A_219 = %while3A_56) -> (i32)  : i32 {
      %rem3A = arith.constant 2 : i32
      %rem3A_220 = arith.remsi %while3A_218, %rem3A : i32
      %eq3A = arith.constant 0 : i32
      %eq3A_221 = arith.cmpi eq, %rem3A_220, %eq3A : i32
      %convert_element_type3A = arith.extui %eq3A_221 : i1 to i32
      %cond3A = arith.constant 0 : i32
      %cond3A_222 = arith.cmpi ne, %convert_element_type3A, %cond3A : i32
      %cond3A_223 = scf.if %cond3A_222 -> (i32) {
        %add3A_224 = arith.constant 1 : i32
        %add3A_225 = arith.addi %while3A_218, %add3A_224 : i32
        %lt3A = arith.cmpi slt, %add3A_225, %add3A_28 : i32
        %convert_element_type3A_226 = arith.extui %lt3A : i1 to i32
        %cond3A_227 = arith.constant 0 : i32
        %cond3A_228 = arith.cmpi ne, %convert_element_type3A_226, %cond3A_227 : i32
        scf.if %cond3A_228 {
          %add3A_258 = arith.constant 1 : i32
          %add3A_259 = arith.addi %while3A_218, %add3A_258 : i32
          %mul3A_260 = arith.constant 6 : i32
          %mul3A_261 = arith.muli %mul3A_260, %add3A_259 : i32
          %add3A_262 = arith.addi %shift_right_arithmetic3A_18, %mul3A_261 : i32
          %min3A_263 = arith.constant 7807 : i32
          %min3A_264 = arith.minsi %add3A_262, %min3A_263 : i32
          %mul3A_265 = arith.constant 128 : i32
          %mul3A_266 = arith.muli %min3A_264, %mul3A_265 : i32
          %multiple_of3A_267 = tpu.assume_multiple %mul3A_266, 128 : i32
          %dma_start3A_268 = arith.constant 1 : i32
          %dma_start3A_269 = arith.constant 0 : i32
          %dma_start3A_270 = arith.constant 0 : i32
          %dma_start3A_271 = tpu.memref_slice %arg8[%dma_start3A_268, %dma_start3A_269, %dma_start3A_270] : memref<2x64x768xf32, #tpu.memory_space<vmem>> -> memref<1x64x768xf32, #tpu.memory_space<vmem>>
          %dma_start3A_272 = tpu.memref_squeeze %dma_start3A_271 : memref<1x64x768xf32, #tpu.memory_space<vmem>> -> memref<64x768xf32, #tpu.memory_space<vmem>>
          %dma_start3A_273 = arith.constant 0 : i32
          %dma_start3A_274 = tpu.memref_slice %arg2[%dma_start3A_273, %multiple_of3A_267] : memref<64x1000000xf32, #tpu.memory_space<hbm>> -> memref<64x768xf32, #tpu.memory_space<hbm>>
          %dma_start3A_275 = arith.constant 0 : i32
          %dma_start3A_276 = arith.constant 0 : i32
          %dma_start3A_277 = tpu.memref_slice %arg8[%dma_start3A_268, %dma_start3A_275, %dma_start3A_276] : memref<2x64x768xf32, #tpu.memory_space<vmem>> -> memref<1x64x768xf32, #tpu.memory_space<vmem>>
          %dma_start3A_278 = tpu.memref_squeeze %dma_start3A_277 : memref<1x64x768xf32, #tpu.memory_space<vmem>> -> memref<64x768xf32, #tpu.memory_space<vmem>>
          %dma_start3A_279 = arith.constant 0 : i32
          %dma_start3A_280 = tpu.memref_slice %arg2[%dma_start3A_279, %multiple_of3A_267] : memref<64x1000000xf32, #tpu.memory_space<hbm>> -> memref<64x768xf32, #tpu.memory_space<hbm>>
          tpu.enqueue_dma source(%dma_start3A_280 : memref<64x768xf32, #tpu.memory_space<hbm>>) target(%dma_start3A_278 : memref<64x768xf32, #tpu.memory_space<vmem>>) target_semaphore(%arg11 : memref<!tpu.dma_semaphore, #tpu.memory_space<semaphore_mem>>)
        } else {
        }
        %dma_wait3A_229 = arith.constant 0 : i32
        %dma_wait3A_230 = arith.constant 0 : i32
        %dma_wait3A_231 = arith.constant 0 : i32
        %dma_wait3A_232 = tpu.memref_slice %arg8[%dma_wait3A_229, %dma_wait3A_230, %dma_wait3A_231] : memref<2x64x768xf32, #tpu.memory_space<vmem>> -> memref<1x64x768xf32, #tpu.memory_space<vmem>>
        %dma_wait3A_233 = tpu.memref_squeeze %dma_wait3A_232 : memref<1x64x768xf32, #tpu.memory_space<vmem>> -> memref<64x768xf32, #tpu.memory_space<vmem>>
        %dma_wait3A_234 = arith.constant 0 : i32
        %dma_wait3A_235 = arith.constant 0 : i32
        %dma_wait3A_236 = tpu.memref_slice %arg2[%dma_wait3A_234, %dma_wait3A_235] : memref<64x1000000xf32, #tpu.memory_space<hbm>> -> memref<64x768xf32, #tpu.memory_space<hbm>>
        %dma_wait3A_237 = arith.constant 0 : i32
        %dma_wait3A_238 = arith.constant 0 : i32
        %dma_wait3A_239 = tpu.memref_slice %arg8[%dma_wait3A_229, %dma_wait3A_237, %dma_wait3A_238] : memref<2x64x768xf32, #tpu.memory_space<vmem>> -> memref<1x64x768xf32, #tpu.memory_space<vmem>>
        %dma_wait3A_240 = tpu.memref_squeeze %dma_wait3A_239 : memref<1x64x768xf32, #tpu.memory_space<vmem>> -> memref<64x768xf32, #tpu.memory_space<vmem>>
        %dma_wait3A_241 = arith.constant 0 : i32
        %dma_wait3A_242 = arith.constant 0 : i32
        %dma_wait3A_243 = tpu.memref_slice %arg2[%dma_wait3A_241, %dma_wait3A_242] : memref<64x1000000xf32, #tpu.memory_space<hbm>> -> memref<64x768xf32, #tpu.memory_space<hbm>>
        tpu.wait_dma2 semaphore(%arg10 : memref<!tpu.dma_semaphore, #tpu.memory_space<semaphore_mem>>) src(%dma_wait3A_243 : memref<64x768xf32, #tpu.memory_space<hbm>>) dst(%dma_wait3A_240 : memref<64x768xf32, #tpu.memory_space<vmem>>)
        %mul3A_244 = arith.constant 6 : i32
        %mul3A_245 = arith.muli %mul3A_244, %while3A_218 : i32
        %add3A_246 = arith.addi %shift_right_arithmetic3A_18, %mul3A_245 : i32
        %min3A_247 = arith.constant 7807 : i32
        %min3A_248 = arith.minsi %add3A_246, %min3A_247 : i32
        %mul3A_249 = arith.constant 128 : i32
        %mul3A_250 = arith.muli %min3A_248, %mul3A_249 : i32
        %multiple_of3A_251 = tpu.assume_multiple %mul3A_250, 128 : i32
        %add3A_252 = arith.constant 1 : i32
        %add3A_253 = arith.addi %while3A_218, %add3A_252 : i32
        %mul3A_254 = arith.constant 768 : i32
        %mul3A_255 = arith.muli %add3A_253, %mul3A_254 : i32
        %add3A_256 = arith.addi %mul3A_30, %mul3A_255 : i32
        %while3A_257 = scf.while (%while3A_258 = %while3A_219) : (i32) -> i32 {
          %min3A_259 = arith.constant 511 : i32
          %min3A_260 = arith.minsi %while3A_258, %min3A_259 : i32
          %broadcast_in_dim3A_261 = vector.broadcast %min3A_260 : i32 to vector<16xi32>
          %gather3A_262 = tpu.vector_load_idx %arg6[%broadcast_in_dim3A_261] : memref<512xi32, #tpu.memory_space<vmem>>[vector<16xi32>], vector<16xi32>,
          %slice3A_263 = vector.extract_strided_slice %gather3A_262 {offsets = [0], sizes = [1], strides = [1]} : vector<16xi32> to vector<1xi32>
          %squeeze3A_264 = vector.extract %slice3A_263[0] : i32 from vector<1xi32>
          %lt3A_265 = arith.constant 512 : i32
          %lt3A_266 = arith.cmpi slt, %while3A_258, %lt3A_265 : i32
          %lt3A_267 = arith.cmpi slt, %squeeze3A_264, %add3A_256 : i32
          %and3A = arith.andi %lt3A_266, %lt3A_267 : i1
          scf.condition(%and3A) %while3A_258 : i32
        } do {
        ^bb0(%while3A_258: i32):
          %broadcast_in_dim3A_259 = vector.broadcast %while3A_258 : i32 to vector<16xi32>
          %gather3A_260 = tpu.vector_load_idx %arg6[%broadcast_in_dim3A_259] : memref<512xi32, #tpu.memory_space<vmem>>[vector<16xi32>], vector<16xi32>,
          %slice3A_261 = vector.extract_strided_slice %gather3A_260 {offsets = [0], sizes = [1], strides = [1]} : vector<16xi32> to vector<1xi32>
          %squeeze3A_262 = vector.extract %slice3A_261[0] : i32 from vector<1xi32>
          %broadcast_in_dim3A_263 = vector.broadcast %while3A_258 : i32 to vector<16xi32>
          %gather3A_264 = tpu.vector_load_idx %arg7[%broadcast_in_dim3A_263] : memref<512xi32, #tpu.memory_space<vmem>>[vector<16xi32>], vector<16xi32>,
          %slice3A_265 = vector.extract_strided_slice %gather3A_264 {offsets = [0], sizes = [1], strides = [1]} : vector<16xi32> to vector<1xi32>
          %squeeze3A_266 = vector.extract %slice3A_265[0] : i32 from vector<1xi32>
          %sub3A_267 = arith.subi %squeeze3A_262, %multiple_of3A_251 : i32
          %broadcast_in_dim3A_268 = vector.broadcast %sub3A_267 : i32 to vector<16xi32>
          %rem3A_269 = arith.constant 16 : i32
          %rem3A_270 = arith.remsi %while3A_258, %rem3A_269 : i32
          %broadcast_in_dim3A_271 = vector.broadcast %rem3A_270 : i32 to vector<16xi32>
          %gather3A_272 = arith.constant 0 : i32
          %gather3A_273 = arith.constant 0 : i32
          %gather3A_274 = arith.constant 0 : i32
          %gather3A_275 = tpu.memref_slice %arg8[%gather3A_272, %gather3A_273, %gather3A_274] : memref<2x64x768xf32, #tpu.memory_space<vmem>> -> memref<1x64x768xf32, #tpu.memory_space<vmem>>
          %gather3A_276 = tpu.memref_squeeze %gather3A_275 : memref<1x64x768xf32, #tpu.memory_space<vmem>> -> memref<64x768xf32, #tpu.memory_space<vmem>>
          %gather3A_277 = tpu.vector_load_idx %gather3A_276[%add3A_5, %broadcast_in_dim3A_268] : memref<64x768xf32, #tpu.memory_space<vmem>>[vector<16xi32>, vector<16xi32>], vector<16xf32>,
          tpu.vector_store_idx %arg9[%broadcast_in_dim3A_271, %add3A_5], %gather3A_277 : memref<16x64xf32, #tpu.memory_space<vmem>>[vector<16xi32>, vector<16xi32>], vector<16xf32>,
          %gather3A_278 = arith.constant 0 : i32
          %gather3A_279 = arith.constant 0 : i32
          %gather3A_280 = arith.constant 0 : i32
          %gather3A_281 = tpu.memref_slice %arg8[%gather3A_278, %gather3A_279, %gather3A_280] : memref<2x64x768xf32, #tpu.memory_space<vmem>> -> memref<1x64x768xf32, #tpu.memory_space<vmem>>
          %gather3A_282 = tpu.memref_squeeze %gather3A_281 : memref<1x64x768xf32, #tpu.memory_space<vmem>> -> memref<64x768xf32, #tpu.memory_space<vmem>>
          %gather3A_283 = tpu.vector_load_idx %gather3A_282[%add3A_8, %broadcast_in_dim3A_268] : memref<64x768xf32, #tpu.memory_space<vmem>>[vector<16xi32>, vector<16xi32>], vector<16xf32>,
          tpu.vector_store_idx %arg9[%broadcast_in_dim3A_271, %add3A_8], %gather3A_283 : memref<16x64xf32, #tpu.memory_space<vmem>>[vector<16xi32>, vector<16xi32>], vector<16xf32>,
          %gather3A_284 = arith.constant 0 : i32
          %gather3A_285 = arith.constant 0 : i32
          %gather3A_286 = arith.constant 0 : i32
          %gather3A_287 = tpu.memref_slice %arg8[%gather3A_284, %gather3A_285, %gather3A_286] : memref<2x64x768xf32, #tpu.memory_space<vmem>> -> memref<1x64x768xf32, #tpu.memory_space<vmem>>
          %gather3A_288 = tpu.memref_squeeze %gather3A_287 : memref<1x64x768xf32, #tpu.memory_space<vmem>> -> memref<64x768xf32, #tpu.memory_space<vmem>>
          %gather3A_289 = tpu.vector_load_idx %gather3A_288[%add3A_11, %broadcast_in_dim3A_268] : memref<64x768xf32, #tpu.memory_space<vmem>>[vector<16xi32>, vector<16xi32>], vector<16xf32>,
          tpu.vector_store_idx %arg9[%broadcast_in_dim3A_271, %add3A_11], %gather3A_289 : memref<16x64xf32, #tpu.memory_space<vmem>>[vector<16xi32>, vector<16xi32>], vector<16xf32>,
          %gather3A_290 = arith.constant 0 : i32
          %gather3A_291 = arith.constant 0 : i32
          %gather3A_292 = arith.constant 0 : i32
          %gather3A_293 = tpu.memref_slice %arg8[%gather3A_290, %gather3A_291, %gather3A_292] : memref<2x64x768xf32, #tpu.memory_space<vmem>> -> memref<1x64x768xf32, #tpu.memory_space<vmem>>
          %gather3A_294 = tpu.memref_squeeze %gather3A_293 : memref<1x64x768xf32, #tpu.memory_space<vmem>> -> memref<64x768xf32, #tpu.memory_space<vmem>>
          %gather3A_295 = tpu.vector_load_idx %gather3A_294[%add3A_14, %broadcast_in_dim3A_268] : memref<64x768xf32, #tpu.memory_space<vmem>>[vector<16xi32>, vector<16xi32>], vector<16xf32>,
          tpu.vector_store_idx %arg9[%broadcast_in_dim3A_271, %add3A_14], %gather3A_295 : memref<16x64xf32, #tpu.memory_space<vmem>>[vector<16xi32>, vector<16xi32>], vector<16xf32>,
          %ge3A = arith.constant 16 : i32
          %ge3A_296 = arith.cmpi sge, %while3A_258, %ge3A : i32
          %convert_element_type3A_297 = arith.extui %ge3A_296 : i1 to i32
          %cond3A_298 = arith.constant 0 : i32
          %cond3A_299 = arith.cmpi ne, %convert_element_type3A_297, %cond3A_298 : i32
          scf.if %cond3A_299 {
            %dma_wait3A_310 = arith.constant 0 : i32
            %dma_wait3A_311 = arith.constant 0 : i32
            %dma_wait3A_312 = tpu.memref_slice %arg9[%dma_wait3A_310, %dma_wait3A_311] : memref<16x64xf32, #tpu.memory_space<vmem>> -> memref<1x64xf32, #tpu.memory_space<vmem>>
            %dma_wait3A_313 = arith.constant 0 : i32
            %dma_wait3A_314 = tpu.memref_slice %arg5[%mul3A_2, %dma_wait3A_313] : memref<16384x64xf32, #tpu.memory_space<hbm>> -> memref<1x64xf32, #tpu.memory_space<hbm>>
            %dma_wait3A_315 = arith.constant 0 : i32
            %dma_wait3A_316 = arith.constant 0 : i32
            %dma_wait3A_317 = tpu.memref_slice %arg9[%dma_wait3A_315, %dma_wait3A_316] : memref<16x64xf32, #tpu.memory_space<vmem>> -> memref<1x64xf32, #tpu.memory_space<vmem>>
            %dma_wait3A_318 = arith.constant 0 : i32
            %dma_wait3A_319 = tpu.memref_slice %arg5[%mul3A_2, %dma_wait3A_318] : memref<16384x64xf32, #tpu.memory_space<hbm>> -> memref<1x64xf32, #tpu.memory_space<hbm>>
            tpu.wait_dma2 semaphore(%arg12 : memref<!tpu.dma_semaphore, #tpu.memory_space<semaphore_mem>>) src(%dma_wait3A_319 : memref<1x64xf32, #tpu.memory_space<hbm>>) dst(%dma_wait3A_317 : memref<1x64xf32, #tpu.memory_space<vmem>>)
          } else {
          }
          %dma_start3A_300 = arith.constant 0 : i32
          %dma_start3A_301 = tpu.memref_slice %arg9[%rem3A_270, %dma_start3A_300] : memref<16x64xf32, #tpu.memory_space<vmem>> -> memref<1x64xf32, #tpu.memory_space<vmem>>
          %dma_start3A_302 = arith.constant 0 : i32
          %dma_start3A_303 = tpu.memref_slice %arg5[%squeeze3A_266, %dma_start3A_302] : memref<16384x64xf32, #tpu.memory_space<hbm>> -> memref<1x64xf32, #tpu.memory_space<hbm>>
          %dma_start3A_304 = arith.constant 0 : i32
          %dma_start3A_305 = tpu.memref_slice %arg5[%squeeze3A_266, %dma_start3A_304] : memref<16384x64xf32, #tpu.memory_space<hbm>> -> memref<1x64xf32, #tpu.memory_space<hbm>>
          %dma_start3A_306 = arith.constant 0 : i32
          %dma_start3A_307 = tpu.memref_slice %arg9[%rem3A_270, %dma_start3A_306] : memref<16x64xf32, #tpu.memory_space<vmem>> -> memref<1x64xf32, #tpu.memory_space<vmem>>
          tpu.enqueue_dma source(%dma_start3A_307 : memref<1x64xf32, #tpu.memory_space<vmem>>) target(%dma_start3A_305 : memref<1x64xf32, #tpu.memory_space<hbm>>) target_semaphore(%arg12 : memref<!tpu.dma_semaphore, #tpu.memory_space<semaphore_mem>>)
          %add3A_308 = arith.constant 1 : i32
          %add3A_309 = arith.addi %while3A_258, %add3A_308 : i32
          scf.yield %add3A_309 : i32
        }
        scf.yield %while3A_257 : i32
      } else {
        %add3A_224 = arith.constant 1 : i32
        %add3A_225 = arith.addi %while3A_218, %add3A_224 : i32
        %lt3A = arith.cmpi slt, %add3A_225, %add3A_28 : i32
        %convert_element_type3A_226 = arith.extui %lt3A : i1 to i32
        %cond3A_227 = arith.constant 0 : i32
        %cond3A_228 = arith.cmpi ne, %convert_element_type3A_226, %cond3A_227 : i32
        scf.if %cond3A_228 {
          %add3A_258 = arith.constant 1 : i32
          %add3A_259 = arith.addi %while3A_218, %add3A_258 : i32
          %mul3A_260 = arith.constant 6 : i32
          %mul3A_261 = arith.muli %mul3A_260, %add3A_259 : i32
          %add3A_262 = arith.addi %shift_right_arithmetic3A_18, %mul3A_261 : i32
          %min3A_263 = arith.constant 7807 : i32
          %min3A_264 = arith.minsi %add3A_262, %min3A_263 : i32
          %mul3A_265 = arith.constant 128 : i32
          %mul3A_266 = arith.muli %min3A_264, %mul3A_265 : i32
          %multiple_of3A_267 = tpu.assume_multiple %mul3A_266, 128 : i32
          %dma_start3A_268 = arith.constant 0 : i32
          %dma_start3A_269 = arith.constant 0 : i32
          %dma_start3A_270 = arith.constant 0 : i32
          %dma_start3A_271 = tpu.memref_slice %arg8[%dma_start3A_268, %dma_start3A_269, %dma_start3A_270] : memref<2x64x768xf32, #tpu.memory_space<vmem>> -> memref<1x64x768xf32, #tpu.memory_space<vmem>>
          %dma_start3A_272 = tpu.memref_squeeze %dma_start3A_271 : memref<1x64x768xf32, #tpu.memory_space<vmem>> -> memref<64x768xf32, #tpu.memory_space<vmem>>
          %dma_start3A_273 = arith.constant 0 : i32
          %dma_start3A_274 = tpu.memref_slice %arg2[%dma_start3A_273, %multiple_of3A_267] : memref<64x1000000xf32, #tpu.memory_space<hbm>> -> memref<64x768xf32, #tpu.memory_space<hbm>>
          %dma_start3A_275 = arith.constant 0 : i32
          %dma_start3A_276 = arith.constant 0 : i32
          %dma_start3A_277 = tpu.memref_slice %arg8[%dma_start3A_268, %dma_start3A_275, %dma_start3A_276] : memref<2x64x768xf32, #tpu.memory_space<vmem>> -> memref<1x64x768xf32, #tpu.memory_space<vmem>>
          %dma_start3A_278 = tpu.memref_squeeze %dma_start3A_277 : memref<1x64x768xf32, #tpu.memory_space<vmem>> -> memref<64x768xf32, #tpu.memory_space<vmem>>
          %dma_start3A_279 = arith.constant 0 : i32
          %dma_start3A_280 = tpu.memref_slice %arg2[%dma_start3A_279, %multiple_of3A_267] : memref<64x1000000xf32, #tpu.memory_space<hbm>> -> memref<64x768xf32, #tpu.memory_space<hbm>>
          tpu.enqueue_dma source(%dma_start3A_280 : memref<64x768xf32, #tpu.memory_space<hbm>>) target(%dma_start3A_278 : memref<64x768xf32, #tpu.memory_space<vmem>>) target_semaphore(%arg10 : memref<!tpu.dma_semaphore, #tpu.memory_space<semaphore_mem>>)
        } else {
        }
        %dma_wait3A_229 = arith.constant 1 : i32
        %dma_wait3A_230 = arith.constant 0 : i32
        %dma_wait3A_231 = arith.constant 0 : i32
        %dma_wait3A_232 = tpu.memref_slice %arg8[%dma_wait3A_229, %dma_wait3A_230, %dma_wait3A_231] : memref<2x64x768xf32, #tpu.memory_space<vmem>> -> memref<1x64x768xf32, #tpu.memory_space<vmem>>
        %dma_wait3A_233 = tpu.memref_squeeze %dma_wait3A_232 : memref<1x64x768xf32, #tpu.memory_space<vmem>> -> memref<64x768xf32, #tpu.memory_space<vmem>>
        %dma_wait3A_234 = arith.constant 0 : i32
        %dma_wait3A_235 = arith.constant 0 : i32
        %dma_wait3A_236 = tpu.memref_slice %arg2[%dma_wait3A_234, %dma_wait3A_235] : memref<64x1000000xf32, #tpu.memory_space<hbm>> -> memref<64x768xf32, #tpu.memory_space<hbm>>
        %dma_wait3A_237 = arith.constant 0 : i32
        %dma_wait3A_238 = arith.constant 0 : i32
        %dma_wait3A_239 = tpu.memref_slice %arg8[%dma_wait3A_229, %dma_wait3A_237, %dma_wait3A_238] : memref<2x64x768xf32, #tpu.memory_space<vmem>> -> memref<1x64x768xf32, #tpu.memory_space<vmem>>
        %dma_wait3A_240 = tpu.memref_squeeze %dma_wait3A_239 : memref<1x64x768xf32, #tpu.memory_space<vmem>> -> memref<64x768xf32, #tpu.memory_space<vmem>>
        %dma_wait3A_241 = arith.constant 0 : i32
        %dma_wait3A_242 = arith.constant 0 : i32
        %dma_wait3A_243 = tpu.memref_slice %arg2[%dma_wait3A_241, %dma_wait3A_242] : memref<64x1000000xf32, #tpu.memory_space<hbm>> -> memref<64x768xf32, #tpu.memory_space<hbm>>
        tpu.wait_dma2 semaphore(%arg11 : memref<!tpu.dma_semaphore, #tpu.memory_space<semaphore_mem>>) src(%dma_wait3A_243 : memref<64x768xf32, #tpu.memory_space<hbm>>) dst(%dma_wait3A_240 : memref<64x768xf32, #tpu.memory_space<vmem>>)
        %mul3A_244 = arith.constant 6 : i32
        %mul3A_245 = arith.muli %mul3A_244, %while3A_218 : i32
        %add3A_246 = arith.addi %shift_right_arithmetic3A_18, %mul3A_245 : i32
        %min3A_247 = arith.constant 7807 : i32
        %min3A_248 = arith.minsi %add3A_246, %min3A_247 : i32
        %mul3A_249 = arith.constant 128 : i32
        %mul3A_250 = arith.muli %min3A_248, %mul3A_249 : i32
        %multiple_of3A_251 = tpu.assume_multiple %mul3A_250, 128 : i32
        %add3A_252 = arith.constant 1 : i32
        %add3A_253 = arith.addi %while3A_218, %add3A_252 : i32
        %mul3A_254 = arith.constant 768 : i32
        %mul3A_255 = arith.muli %add3A_253, %mul3A_254 : i32
        %add3A_256 = arith.addi %mul3A_30, %mul3A_255 : i32
        %while3A_257 = scf.while (%while3A_258 = %while3A_219) : (i32) -> i32 {
          %min3A_259 = arith.constant 511 : i32
          %min3A_260 = arith.minsi %while3A_258, %min3A_259 : i32
          %broadcast_in_dim3A_261 = vector.broadcast %min3A_260 : i32 to vector<16xi32>
          %gather3A_262 = tpu.vector_load_idx %arg6[%broadcast_in_dim3A_261] : memref<512xi32, #tpu.memory_space<vmem>>[vector<16xi32>], vector<16xi32>,
          %slice3A_263 = vector.extract_strided_slice %gather3A_262 {offsets = [0], sizes = [1], strides = [1]} : vector<16xi32> to vector<1xi32>
          %squeeze3A_264 = vector.extract %slice3A_263[0] : i32 from vector<1xi32>
          %lt3A_265 = arith.constant 512 : i32
          %lt3A_266 = arith.cmpi slt, %while3A_258, %lt3A_265 : i32
          %lt3A_267 = arith.cmpi slt, %squeeze3A_264, %add3A_256 : i32
          %and3A = arith.andi %lt3A_266, %lt3A_267 : i1
          scf.condition(%and3A) %while3A_258 : i32
        } do {
        ^bb0(%while3A_258: i32):
          %broadcast_in_dim3A_259 = vector.broadcast %while3A_258 : i32 to vector<16xi32>
          %gather3A_260 = tpu.vector_load_idx %arg6[%broadcast_in_dim3A_259] : memref<512xi32, #tpu.memory_space<vmem>>[vector<16xi32>], vector<16xi32>,
          %slice3A_261 = vector.extract_strided_slice %gather3A_260 {offsets = [0], sizes = [1], strides = [1]} : vector<16xi32> to vector<1xi32>
          %squeeze3A_262 = vector.extract %slice3A_261[0] : i32 from vector<1xi32>
          %broadcast_in_dim3A_263 = vector.broadcast %while3A_258 : i32 to vector<16xi32>
          %gather3A_264 = tpu.vector_load_idx %arg7[%broadcast_in_dim3A_263] : memref<512xi32, #tpu.memory_space<vmem>>[vector<16xi32>], vector<16xi32>,
          %slice3A_265 = vector.extract_strided_slice %gather3A_264 {offsets = [0], sizes = [1], strides = [1]} : vector<16xi32> to vector<1xi32>
          %squeeze3A_266 = vector.extract %slice3A_265[0] : i32 from vector<1xi32>
          %sub3A_267 = arith.subi %squeeze3A_262, %multiple_of3A_251 : i32
          %broadcast_in_dim3A_268 = vector.broadcast %sub3A_267 : i32 to vector<16xi32>
          %rem3A_269 = arith.constant 16 : i32
          %rem3A_270 = arith.remsi %while3A_258, %rem3A_269 : i32
          %broadcast_in_dim3A_271 = vector.broadcast %rem3A_270 : i32 to vector<16xi32>
          %gather3A_272 = arith.constant 1 : i32
          %gather3A_273 = arith.constant 0 : i32
          %gather3A_274 = arith.constant 0 : i32
          %gather3A_275 = tpu.memref_slice %arg8[%gather3A_272, %gather3A_273, %gather3A_274] : memref<2x64x768xf32, #tpu.memory_space<vmem>> -> memref<1x64x768xf32, #tpu.memory_space<vmem>>
          %gather3A_276 = tpu.memref_squeeze %gather3A_275 : memref<1x64x768xf32, #tpu.memory_space<vmem>> -> memref<64x768xf32, #tpu.memory_space<vmem>>
          %gather3A_277 = tpu.vector_load_idx %gather3A_276[%add3A_5, %broadcast_in_dim3A_268] : memref<64x768xf32, #tpu.memory_space<vmem>>[vector<16xi32>, vector<16xi32>], vector<16xf32>,
          tpu.vector_store_idx %arg9[%broadcast_in_dim3A_271, %add3A_5], %gather3A_277 : memref<16x64xf32, #tpu.memory_space<vmem>>[vector<16xi32>, vector<16xi32>], vector<16xf32>,
          %gather3A_278 = arith.constant 1 : i32
          %gather3A_279 = arith.constant 0 : i32
          %gather3A_280 = arith.constant 0 : i32
          %gather3A_281 = tpu.memref_slice %arg8[%gather3A_278, %gather3A_279, %gather3A_280] : memref<2x64x768xf32, #tpu.memory_space<vmem>> -> memref<1x64x768xf32, #tpu.memory_space<vmem>>
          %gather3A_282 = tpu.memref_squeeze %gather3A_281 : memref<1x64x768xf32, #tpu.memory_space<vmem>> -> memref<64x768xf32, #tpu.memory_space<vmem>>
          %gather3A_283 = tpu.vector_load_idx %gather3A_282[%add3A_8, %broadcast_in_dim3A_268] : memref<64x768xf32, #tpu.memory_space<vmem>>[vector<16xi32>, vector<16xi32>], vector<16xf32>,
          tpu.vector_store_idx %arg9[%broadcast_in_dim3A_271, %add3A_8], %gather3A_283 : memref<16x64xf32, #tpu.memory_space<vmem>>[vector<16xi32>, vector<16xi32>], vector<16xf32>,
          %gather3A_284 = arith.constant 1 : i32
          %gather3A_285 = arith.constant 0 : i32
          %gather3A_286 = arith.constant 0 : i32
          %gather3A_287 = tpu.memref_slice %arg8[%gather3A_284, %gather3A_285, %gather3A_286] : memref<2x64x768xf32, #tpu.memory_space<vmem>> -> memref<1x64x768xf32, #tpu.memory_space<vmem>>
          %gather3A_288 = tpu.memref_squeeze %gather3A_287 : memref<1x64x768xf32, #tpu.memory_space<vmem>> -> memref<64x768xf32, #tpu.memory_space<vmem>>
          %gather3A_289 = tpu.vector_load_idx %gather3A_288[%add3A_11, %broadcast_in_dim3A_268] : memref<64x768xf32, #tpu.memory_space<vmem>>[vector<16xi32>, vector<16xi32>], vector<16xf32>,
          tpu.vector_store_idx %arg9[%broadcast_in_dim3A_271, %add3A_11], %gather3A_289 : memref<16x64xf32, #tpu.memory_space<vmem>>[vector<16xi32>, vector<16xi32>], vector<16xf32>,
          %gather3A_290 = arith.constant 1 : i32
          %gather3A_291 = arith.constant 0 : i32
          %gather3A_292 = arith.constant 0 : i32
          %gather3A_293 = tpu.memref_slice %arg8[%gather3A_290, %gather3A_291, %gather3A_292] : memref<2x64x768xf32, #tpu.memory_space<vmem>> -> memref<1x64x768xf32, #tpu.memory_space<vmem>>
          %gather3A_294 = tpu.memref_squeeze %gather3A_293 : memref<1x64x768xf32, #tpu.memory_space<vmem>> -> memref<64x768xf32, #tpu.memory_space<vmem>>
          %gather3A_295 = tpu.vector_load_idx %gather3A_294[%add3A_14, %broadcast_in_dim3A_268] : memref<64x768xf32, #tpu.memory_space<vmem>>[vector<16xi32>, vector<16xi32>], vector<16xf32>,
          tpu.vector_store_idx %arg9[%broadcast_in_dim3A_271, %add3A_14], %gather3A_295 : memref<16x64xf32, #tpu.memory_space<vmem>>[vector<16xi32>, vector<16xi32>], vector<16xf32>,
          %ge3A = arith.constant 16 : i32
          %ge3A_296 = arith.cmpi sge, %while3A_258, %ge3A : i32
          %convert_element_type3A_297 = arith.extui %ge3A_296 : i1 to i32
          %cond3A_298 = arith.constant 0 : i32
          %cond3A_299 = arith.cmpi ne, %convert_element_type3A_297, %cond3A_298 : i32
          scf.if %cond3A_299 {
            %dma_wait3A_310 = arith.constant 0 : i32
            %dma_wait3A_311 = arith.constant 0 : i32
            %dma_wait3A_312 = tpu.memref_slice %arg9[%dma_wait3A_310, %dma_wait3A_311] : memref<16x64xf32, #tpu.memory_space<vmem>> -> memref<1x64xf32, #tpu.memory_space<vmem>>
            %dma_wait3A_313 = arith.constant 0 : i32
            %dma_wait3A_314 = tpu.memref_slice %arg5[%mul3A_2, %dma_wait3A_313] : memref<16384x64xf32, #tpu.memory_space<hbm>> -> memref<1x64xf32, #tpu.memory_space<hbm>>
            %dma_wait3A_315 = arith.constant 0 : i32
            %dma_wait3A_316 = arith.constant 0 : i32
            %dma_wait3A_317 = tpu.memref_slice %arg9[%dma_wait3A_315, %dma_wait3A_316] : memref<16x64xf32, #tpu.memory_space<vmem>> -> memref<1x64xf32, #tpu.memory_space<vmem>>
            %dma_wait3A_318 = arith.constant 0 : i32
            %dma_wait3A_319 = tpu.memref_slice %arg5[%mul3A_2, %dma_wait3A_318] : memref<16384x64xf32, #tpu.memory_space<hbm>> -> memref<1x64xf32, #tpu.memory_space<hbm>>
            tpu.wait_dma2 semaphore(%arg12 : memref<!tpu.dma_semaphore, #tpu.memory_space<semaphore_mem>>) src(%dma_wait3A_319 : memref<1x64xf32, #tpu.memory_space<hbm>>) dst(%dma_wait3A_317 : memref<1x64xf32, #tpu.memory_space<vmem>>)
          } else {
          }
          %dma_start3A_300 = arith.constant 0 : i32
          %dma_start3A_301 = tpu.memref_slice %arg9[%rem3A_270, %dma_start3A_300] : memref<16x64xf32, #tpu.memory_space<vmem>> -> memref<1x64xf32, #tpu.memory_space<vmem>>
          %dma_start3A_302 = arith.constant 0 : i32
          %dma_start3A_303 = tpu.memref_slice %arg5[%squeeze3A_266, %dma_start3A_302] : memref<16384x64xf32, #tpu.memory_space<hbm>> -> memref<1x64xf32, #tpu.memory_space<hbm>>
          %dma_start3A_304 = arith.constant 0 : i32
          %dma_start3A_305 = tpu.memref_slice %arg5[%squeeze3A_266, %dma_start3A_304] : memref<16384x64xf32, #tpu.memory_space<hbm>> -> memref<1x64xf32, #tpu.memory_space<hbm>>
          %dma_start3A_306 = arith.constant 0 : i32
          %dma_start3A_307 = tpu.memref_slice %arg9[%rem3A_270, %dma_start3A_306] : memref<16x64xf32, #tpu.memory_space<vmem>> -> memref<1x64xf32, #tpu.memory_space<vmem>>
          tpu.enqueue_dma source(%dma_start3A_307 : memref<1x64xf32, #tpu.memory_space<vmem>>) target(%dma_start3A_305 : memref<1x64xf32, #tpu.memory_space<hbm>>) target_semaphore(%arg12 : memref<!tpu.dma_semaphore, #tpu.memory_space<semaphore_mem>>)
          %add3A_308 = arith.constant 1 : i32
          %add3A_309 = arith.addi %while3A_258, %add3A_308 : i32
          scf.yield %add3A_309 : i32
        }
        scf.yield %while3A_257 : i32
      }
      scf.yield %cond3A_223 : i32
    }
    %dma_wait3A = arith.constant 0 : i32
    %dma_wait3A_59 = arith.constant 0 : i32
    %dma_wait3A_60 = tpu.memref_slice %arg9[%dma_wait3A, %dma_wait3A_59] : memref<16x64xf32, #tpu.memory_space<vmem>> -> memref<1x64xf32, #tpu.memory_space<vmem>>
    %dma_wait3A_61 = arith.constant 0 : i32
    %dma_wait3A_62 = tpu.memref_slice %arg5[%mul3A_2, %dma_wait3A_61] : memref<16384x64xf32, #tpu.memory_space<hbm>> -> memref<1x64xf32, #tpu.memory_space<hbm>>
    %dma_wait3A_63 = arith.constant 0 : i32
    %dma_wait3A_64 = arith.constant 0 : i32
    %dma_wait3A_65 = tpu.memref_slice %arg9[%dma_wait3A_63, %dma_wait3A_64] : memref<16x64xf32, #tpu.memory_space<vmem>> -> memref<1x64xf32, #tpu.memory_space<vmem>>
    %dma_wait3A_66 = arith.constant 0 : i32
    %dma_wait3A_67 = tpu.memref_slice %arg5[%mul3A_2, %dma_wait3A_66] : memref<16384x64xf32, #tpu.memory_space<hbm>> -> memref<1x64xf32, #tpu.memory_space<hbm>>
    tpu.wait_dma2 semaphore(%arg12 : memref<!tpu.dma_semaphore, #tpu.memory_space<semaphore_mem>>) src(%dma_wait3A_67 : memref<1x64xf32, #tpu.memory_space<hbm>>) dst(%dma_wait3A_65 : memref<1x64xf32, #tpu.memory_space<vmem>>)
    %dma_wait3A_68 = arith.constant 0 : i32
    %dma_wait3A_69 = arith.constant 0 : i32
    %dma_wait3A_70 = tpu.memref_slice %arg9[%dma_wait3A_68, %dma_wait3A_69] : memref<16x64xf32, #tpu.memory_space<vmem>> -> memref<1x64xf32, #tpu.memory_space<vmem>>
    %dma_wait3A_71 = arith.constant 0 : i32
    %dma_wait3A_72 = tpu.memref_slice %arg5[%mul3A_2, %dma_wait3A_71] : memref<16384x64xf32, #tpu.memory_space<hbm>> -> memref<1x64xf32, #tpu.memory_space<hbm>>
    %dma_wait3A_73 = arith.constant 0 : i32
    %dma_wait3A_74 = arith.constant 0 : i32
    %dma_wait3A_75 = tpu.memref_slice %arg9[%dma_wait3A_73, %dma_wait3A_74] : memref<16x64xf32, #tpu.memory_space<vmem>> -> memref<1x64xf32, #tpu.memory_space<vmem>>
    %dma_wait3A_76 = arith.constant 0 : i32
    %dma_wait3A_77 = tpu.memref_slice %arg5[%mul3A_2, %dma_wait3A_76] : memref<16384x64xf32, #tpu.memory_space<hbm>> -> memref<1x64xf32, #tpu.memory_space<hbm>>
    tpu.wait_dma2 semaphore(%arg12 : memref<!tpu.dma_semaphore, #tpu.memory_space<semaphore_mem>>) src(%dma_wait3A_77 : memref<1x64xf32, #tpu.memory_space<hbm>>) dst(%dma_wait3A_75 : memref<1x64xf32, #tpu.memory_space<vmem>>)
    %dma_wait3A_78 = arith.constant 0 : i32
    %dma_wait3A_79 = arith.constant 0 : i32
    %dma_wait3A_80 = tpu.memref_slice %arg9[%dma_wait3A_78, %dma_wait3A_79] : memref<16x64xf32, #tpu.memory_space<vmem>> -> memref<1x64xf32, #tpu.memory_space<vmem>>
    %dma_wait3A_81 = arith.constant 0 : i32
    %dma_wait3A_82 = tpu.memref_slice %arg5[%mul3A_2, %dma_wait3A_81] : memref<16384x64xf32, #tpu.memory_space<hbm>> -> memref<1x64xf32, #tpu.memory_space<hbm>>
    %dma_wait3A_83 = arith.constant 0 : i32
    %dma_wait3A_84 = arith.constant 0 : i32
    %dma_wait3A_85 = tpu.memref_slice %arg9[%dma_wait3A_83, %dma_wait3A_84] : memref<16x64xf32, #tpu.memory_space<vmem>> -> memref<1x64xf32, #tpu.memory_space<vmem>>
    %dma_wait3A_86 = arith.constant 0 : i32
    %dma_wait3A_87 = tpu.memref_slice %arg5[%mul3A_2, %dma_wait3A_86] : memref<16384x64xf32, #tpu.memory_space<hbm>> -> memref<1x64xf32, #tpu.memory_space<hbm>>
    tpu.wait_dma2 semaphore(%arg12 : memref<!tpu.dma_semaphore, #tpu.memory_space<semaphore_mem>>) src(%dma_wait3A_87 : memref<1x64xf32, #tpu.memory_space<hbm>>) dst(%dma_wait3A_85 : memref<1x64xf32, #tpu.memory_space<vmem>>)
    %dma_wait3A_88 = arith.constant 0 : i32
    %dma_wait3A_89 = arith.constant 0 : i32
    %dma_wait3A_90 = tpu.memref_slice %arg9[%dma_wait3A_88, %dma_wait3A_89] : memref<16x64xf32, #tpu.memory_space<vmem>> -> memref<1x64xf32, #tpu.memory_space<vmem>>
    %dma_wait3A_91 = arith.constant 0 : i32
    %dma_wait3A_92 = tpu.memref_slice %arg5[%mul3A_2, %dma_wait3A_91] : memref<16384x64xf32, #tpu.memory_space<hbm>> -> memref<1x64xf32, #tpu.memory_space<hbm>>
    %dma_wait3A_93 = arith.constant 0 : i32
    %dma_wait3A_94 = arith.constant 0 : i32
    %dma_wait3A_95 = tpu.memref_slice %arg9[%dma_wait3A_93, %dma_wait3A_94] : memref<16x64xf32, #tpu.memory_space<vmem>> -> memref<1x64xf32, #tpu.memory_space<vmem>>
    %dma_wait3A_96 = arith.constant 0 : i32
    %dma_wait3A_97 = tpu.memref_slice %arg5[%mul3A_2, %dma_wait3A_96] : memref<16384x64xf32, #tpu.memory_space<hbm>> -> memref<1x64xf32, #tpu.memory_space<hbm>>
    tpu.wait_dma2 semaphore(%arg12 : memref<!tpu.dma_semaphore, #tpu.memory_space<semaphore_mem>>) src(%dma_wait3A_97 : memref<1x64xf32, #tpu.memory_space<hbm>>) dst(%dma_wait3A_95 : memref<1x64xf32, #tpu.memory_space<vmem>>)
    %dma_wait3A_98 = arith.constant 0 : i32
    %dma_wait3A_99 = arith.constant 0 : i32
    %dma_wait3A_100 = tpu.memref_slice %arg9[%dma_wait3A_98, %dma_wait3A_99] : memref<16x64xf32, #tpu.memory_space<vmem>> -> memref<1x64xf32, #tpu.memory_space<vmem>>
    %dma_wait3A_101 = arith.constant 0 : i32
    %dma_wait3A_102 = tpu.memref_slice %arg5[%mul3A_2, %dma_wait3A_101] : memref<16384x64xf32, #tpu.memory_space<hbm>> -> memref<1x64xf32, #tpu.memory_space<hbm>>
    %dma_wait3A_103 = arith.constant 0 : i32
    %dma_wait3A_104 = arith.constant 0 : i32
    %dma_wait3A_105 = tpu.memref_slice %arg9[%dma_wait3A_103, %dma_wait3A_104] : memref<16x64xf32, #tpu.memory_space<vmem>> -> memref<1x64xf32, #tpu.memory_space<vmem>>
    %dma_wait3A_106 = arith.constant 0 : i32
    %dma_wait3A_107 = tpu.memref_slice %arg5[%mul3A_2, %dma_wait3A_106] : memref<16384x64xf32, #tpu.memory_space<hbm>> -> memref<1x64xf32, #tpu.memory_space<hbm>>
    tpu.wait_dma2 semaphore(%arg12 : memref<!tpu.dma_semaphore, #tpu.memory_space<semaphore_mem>>) src(%dma_wait3A_107 : memref<1x64xf32, #tpu.memory_space<hbm>>) dst(%dma_wait3A_105 : memref<1x64xf32, #tpu.memory_space<vmem>>)
    %dma_wait3A_108 = arith.constant 0 : i32
    %dma_wait3A_109 = arith.constant 0 : i32
    %dma_wait3A_110 = tpu.memref_slice %arg9[%dma_wait3A_108, %dma_wait3A_109] : memref<16x64xf32, #tpu.memory_space<vmem>> -> memref<1x64xf32, #tpu.memory_space<vmem>>
    %dma_wait3A_111 = arith.constant 0 : i32
    %dma_wait3A_112 = tpu.memref_slice %arg5[%mul3A_2, %dma_wait3A_111] : memref<16384x64xf32, #tpu.memory_space<hbm>> -> memref<1x64xf32, #tpu.memory_space<hbm>>
    %dma_wait3A_113 = arith.constant 0 : i32
    %dma_wait3A_114 = arith.constant 0 : i32
    %dma_wait3A_115 = tpu.memref_slice %arg9[%dma_wait3A_113, %dma_wait3A_114] : memref<16x64xf32, #tpu.memory_space<vmem>> -> memref<1x64xf32, #tpu.memory_space<vmem>>
    %dma_wait3A_116 = arith.constant 0 : i32
    %dma_wait3A_117 = tpu.memref_slice %arg5[%mul3A_2, %dma_wait3A_116] : memref<16384x64xf32, #tpu.memory_space<hbm>> -> memref<1x64xf32, #tpu.memory_space<hbm>>
    tpu.wait_dma2 semaphore(%arg12 : memref<!tpu.dma_semaphore, #tpu.memory_space<semaphore_mem>>) src(%dma_wait3A_117 : memref<1x64xf32, #tpu.memory_space<hbm>>) dst(%dma_wait3A_115 : memref<1x64xf32, #tpu.memory_space<vmem>>)
    %dma_wait3A_118 = arith.constant 0 : i32
    %dma_wait3A_119 = arith.constant 0 : i32
    %dma_wait3A_120 = tpu.memref_slice %arg9[%dma_wait3A_118, %dma_wait3A_119] : memref<16x64xf32, #tpu.memory_space<vmem>> -> memref<1x64xf32, #tpu.memory_space<vmem>>
    %dma_wait3A_121 = arith.constant 0 : i32
    %dma_wait3A_122 = tpu.memref_slice %arg5[%mul3A_2, %dma_wait3A_121] : memref<16384x64xf32, #tpu.memory_space<hbm>> -> memref<1x64xf32, #tpu.memory_space<hbm>>
    %dma_wait3A_123 = arith.constant 0 : i32
    %dma_wait3A_124 = arith.constant 0 : i32
    %dma_wait3A_125 = tpu.memref_slice %arg9[%dma_wait3A_123, %dma_wait3A_124] : memref<16x64xf32, #tpu.memory_space<vmem>> -> memref<1x64xf32, #tpu.memory_space<vmem>>
    %dma_wait3A_126 = arith.constant 0 : i32
    %dma_wait3A_127 = tpu.memref_slice %arg5[%mul3A_2, %dma_wait3A_126] : memref<16384x64xf32, #tpu.memory_space<hbm>> -> memref<1x64xf32, #tpu.memory_space<hbm>>
    tpu.wait_dma2 semaphore(%arg12 : memref<!tpu.dma_semaphore, #tpu.memory_space<semaphore_mem>>) src(%dma_wait3A_127 : memref<1x64xf32, #tpu.memory_space<hbm>>) dst(%dma_wait3A_125 : memref<1x64xf32, #tpu.memory_space<vmem>>)
    %dma_wait3A_128 = arith.constant 0 : i32
    %dma_wait3A_129 = arith.constant 0 : i32
    %dma_wait3A_130 = tpu.memref_slice %arg9[%dma_wait3A_128, %dma_wait3A_129] : memref<16x64xf32, #tpu.memory_space<vmem>> -> memref<1x64xf32, #tpu.memory_space<vmem>>
    %dma_wait3A_131 = arith.constant 0 : i32
    %dma_wait3A_132 = tpu.memref_slice %arg5[%mul3A_2, %dma_wait3A_131] : memref<16384x64xf32, #tpu.memory_space<hbm>> -> memref<1x64xf32, #tpu.memory_space<hbm>>
    %dma_wait3A_133 = arith.constant 0 : i32
    %dma_wait3A_134 = arith.constant 0 : i32
    %dma_wait3A_135 = tpu.memref_slice %arg9[%dma_wait3A_133, %dma_wait3A_134] : memref<16x64xf32, #tpu.memory_space<vmem>> -> memref<1x64xf32, #tpu.memory_space<vmem>>
    %dma_wait3A_136 = arith.constant 0 : i32
    %dma_wait3A_137 = tpu.memref_slice %arg5[%mul3A_2, %dma_wait3A_136] : memref<16384x64xf32, #tpu.memory_space<hbm>> -> memref<1x64xf32, #tpu.memory_space<hbm>>
    tpu.wait_dma2 semaphore(%arg12 : memref<!tpu.dma_semaphore, #tpu.memory_space<semaphore_mem>>) src(%dma_wait3A_137 : memref<1x64xf32, #tpu.memory_space<hbm>>) dst(%dma_wait3A_135 : memref<1x64xf32, #tpu.memory_space<vmem>>)
    %dma_wait3A_138 = arith.constant 0 : i32
    %dma_wait3A_139 = arith.constant 0 : i32
    %dma_wait3A_140 = tpu.memref_slice %arg9[%dma_wait3A_138, %dma_wait3A_139] : memref<16x64xf32, #tpu.memory_space<vmem>> -> memref<1x64xf32, #tpu.memory_space<vmem>>
    %dma_wait3A_141 = arith.constant 0 : i32
    %dma_wait3A_142 = tpu.memref_slice %arg5[%mul3A_2, %dma_wait3A_141] : memref<16384x64xf32, #tpu.memory_space<hbm>> -> memref<1x64xf32, #tpu.memory_space<hbm>>
    %dma_wait3A_143 = arith.constant 0 : i32
    %dma_wait3A_144 = arith.constant 0 : i32
    %dma_wait3A_145 = tpu.memref_slice %arg9[%dma_wait3A_143, %dma_wait3A_144] : memref<16x64xf32, #tpu.memory_space<vmem>> -> memref<1x64xf32, #tpu.memory_space<vmem>>
    %dma_wait3A_146 = arith.constant 0 : i32
    %dma_wait3A_147 = tpu.memref_slice %arg5[%mul3A_2, %dma_wait3A_146] : memref<16384x64xf32, #tpu.memory_space<hbm>> -> memref<1x64xf32, #tpu.memory_space<hbm>>
    tpu.wait_dma2 semaphore(%arg12 : memref<!tpu.dma_semaphore, #tpu.memory_space<semaphore_mem>>) src(%dma_wait3A_147 : memref<1x64xf32, #tpu.memory_space<hbm>>) dst(%dma_wait3A_145 : memref<1x64xf32, #tpu.memory_space<vmem>>)
    %dma_wait3A_148 = arith.constant 0 : i32
    %dma_wait3A_149 = arith.constant 0 : i32
    %dma_wait3A_150 = tpu.memref_slice %arg9[%dma_wait3A_148, %dma_wait3A_149] : memref<16x64xf32, #tpu.memory_space<vmem>> -> memref<1x64xf32, #tpu.memory_space<vmem>>
    %dma_wait3A_151 = arith.constant 0 : i32
    %dma_wait3A_152 = tpu.memref_slice %arg5[%mul3A_2, %dma_wait3A_151] : memref<16384x64xf32, #tpu.memory_space<hbm>> -> memref<1x64xf32, #tpu.memory_space<hbm>>
    %dma_wait3A_153 = arith.constant 0 : i32
    %dma_wait3A_154 = arith.constant 0 : i32
    %dma_wait3A_155 = tpu.memref_slice %arg9[%dma_wait3A_153, %dma_wait3A_154] : memref<16x64xf32, #tpu.memory_space<vmem>> -> memref<1x64xf32, #tpu.memory_space<vmem>>
    %dma_wait3A_156 = arith.constant 0 : i32
    %dma_wait3A_157 = tpu.memref_slice %arg5[%mul3A_2, %dma_wait3A_156] : memref<16384x64xf32, #tpu.memory_space<hbm>> -> memref<1x64xf32, #tpu.memory_space<hbm>>
    tpu.wait_dma2 semaphore(%arg12 : memref<!tpu.dma_semaphore, #tpu.memory_space<semaphore_mem>>) src(%dma_wait3A_157 : memref<1x64xf32, #tpu.memory_space<hbm>>) dst(%dma_wait3A_155 : memref<1x64xf32, #tpu.memory_space<vmem>>)
    %dma_wait3A_158 = arith.constant 0 : i32
    %dma_wait3A_159 = arith.constant 0 : i32
    %dma_wait3A_160 = tpu.memref_slice %arg9[%dma_wait3A_158, %dma_wait3A_159] : memref<16x64xf32, #tpu.memory_space<vmem>> -> memref<1x64xf32, #tpu.memory_space<vmem>>
    %dma_wait3A_161 = arith.constant 0 : i32
    %dma_wait3A_162 = tpu.memref_slice %arg5[%mul3A_2, %dma_wait3A_161] : memref<16384x64xf32, #tpu.memory_space<hbm>> -> memref<1x64xf32, #tpu.memory_space<hbm>>
    %dma_wait3A_163 = arith.constant 0 : i32
    %dma_wait3A_164 = arith.constant 0 : i32
    %dma_wait3A_165 = tpu.memref_slice %arg9[%dma_wait3A_163, %dma_wait3A_164] : memref<16x64xf32, #tpu.memory_space<vmem>> -> memref<1x64xf32, #tpu.memory_space<vmem>>
    %dma_wait3A_166 = arith.constant 0 : i32
    %dma_wait3A_167 = tpu.memref_slice %arg5[%mul3A_2, %dma_wait3A_166] : memref<16384x64xf32, #tpu.memory_space<hbm>> -> memref<1x64xf32, #tpu.memory_space<hbm>>
    tpu.wait_dma2 semaphore(%arg12 : memref<!tpu.dma_semaphore, #tpu.memory_space<semaphore_mem>>) src(%dma_wait3A_167 : memref<1x64xf32, #tpu.memory_space<hbm>>) dst(%dma_wait3A_165 : memref<1x64xf32, #tpu.memory_space<vmem>>)
    %dma_wait3A_168 = arith.constant 0 : i32
    %dma_wait3A_169 = arith.constant 0 : i32
    %dma_wait3A_170 = tpu.memref_slice %arg9[%dma_wait3A_168, %dma_wait3A_169] : memref<16x64xf32, #tpu.memory_space<vmem>> -> memref<1x64xf32, #tpu.memory_space<vmem>>
    %dma_wait3A_171 = arith.constant 0 : i32
    %dma_wait3A_172 = tpu.memref_slice %arg5[%mul3A_2, %dma_wait3A_171] : memref<16384x64xf32, #tpu.memory_space<hbm>> -> memref<1x64xf32, #tpu.memory_space<hbm>>
    %dma_wait3A_173 = arith.constant 0 : i32
    %dma_wait3A_174 = arith.constant 0 : i32
    %dma_wait3A_175 = tpu.memref_slice %arg9[%dma_wait3A_173, %dma_wait3A_174] : memref<16x64xf32, #tpu.memory_space<vmem>> -> memref<1x64xf32, #tpu.memory_space<vmem>>
    %dma_wait3A_176 = arith.constant 0 : i32
    %dma_wait3A_177 = tpu.memref_slice %arg5[%mul3A_2, %dma_wait3A_176] : memref<16384x64xf32, #tpu.memory_space<hbm>> -> memref<1x64xf32, #tpu.memory_space<hbm>>
    tpu.wait_dma2 semaphore(%arg12 : memref<!tpu.dma_semaphore, #tpu.memory_space<semaphore_mem>>) src(%dma_wait3A_177 : memref<1x64xf32, #tpu.memory_space<hbm>>) dst(%dma_wait3A_175 : memref<1x64xf32, #tpu.memory_space<vmem>>)
    %dma_wait3A_178 = arith.constant 0 : i32
    %dma_wait3A_179 = arith.constant 0 : i32
    %dma_wait3A_180 = tpu.memref_slice %arg9[%dma_wait3A_178, %dma_wait3A_179] : memref<16x64xf32, #tpu.memory_space<vmem>> -> memref<1x64xf32, #tpu.memory_space<vmem>>
    %dma_wait3A_181 = arith.constant 0 : i32
    %dma_wait3A_182 = tpu.memref_slice %arg5[%mul3A_2, %dma_wait3A_181] : memref<16384x64xf32, #tpu.memory_space<hbm>> -> memref<1x64xf32, #tpu.memory_space<hbm>>
    %dma_wait3A_183 = arith.constant 0 : i32
    %dma_wait3A_184 = arith.constant 0 : i32
    %dma_wait3A_185 = tpu.memref_slice %arg9[%dma_wait3A_183, %dma_wait3A_184] : memref<16x64xf32, #tpu.memory_space<vmem>> -> memref<1x64xf32, #tpu.memory_space<vmem>>
    %dma_wait3A_186 = arith.constant 0 : i32
    %dma_wait3A_187 = tpu.memref_slice %arg5[%mul3A_2, %dma_wait3A_186] : memref<16384x64xf32, #tpu.memory_space<hbm>> -> memref<1x64xf32, #tpu.memory_space<hbm>>
    tpu.wait_dma2 semaphore(%arg12 : memref<!tpu.dma_semaphore, #tpu.memory_space<semaphore_mem>>) src(%dma_wait3A_187 : memref<1x64xf32, #tpu.memory_space<hbm>>) dst(%dma_wait3A_185 : memref<1x64xf32, #tpu.memory_space<vmem>>)
    %dma_wait3A_188 = arith.constant 0 : i32
    %dma_wait3A_189 = arith.constant 0 : i32
    %dma_wait3A_190 = tpu.memref_slice %arg9[%dma_wait3A_188, %dma_wait3A_189] : memref<16x64xf32, #tpu.memory_space<vmem>> -> memref<1x64xf32, #tpu.memory_space<vmem>>
    %dma_wait3A_191 = arith.constant 0 : i32
    %dma_wait3A_192 = tpu.memref_slice %arg5[%mul3A_2, %dma_wait3A_191] : memref<16384x64xf32, #tpu.memory_space<hbm>> -> memref<1x64xf32, #tpu.memory_space<hbm>>
    %dma_wait3A_193 = arith.constant 0 : i32
    %dma_wait3A_194 = arith.constant 0 : i32
    %dma_wait3A_195 = tpu.memref_slice %arg9[%dma_wait3A_193, %dma_wait3A_194] : memref<16x64xf32, #tpu.memory_space<vmem>> -> memref<1x64xf32, #tpu.memory_space<vmem>>
    %dma_wait3A_196 = arith.constant 0 : i32
    %dma_wait3A_197 = tpu.memref_slice %arg5[%mul3A_2, %dma_wait3A_196] : memref<16384x64xf32, #tpu.memory_space<hbm>> -> memref<1x64xf32, #tpu.memory_space<hbm>>
    tpu.wait_dma2 semaphore(%arg12 : memref<!tpu.dma_semaphore, #tpu.memory_space<semaphore_mem>>) src(%dma_wait3A_197 : memref<1x64xf32, #tpu.memory_space<hbm>>) dst(%dma_wait3A_195 : memref<1x64xf32, #tpu.memory_space<vmem>>)
    %dma_wait3A_198 = arith.constant 0 : i32
    %dma_wait3A_199 = arith.constant 0 : i32
    %dma_wait3A_200 = tpu.memref_slice %arg9[%dma_wait3A_198, %dma_wait3A_199] : memref<16x64xf32, #tpu.memory_space<vmem>> -> memref<1x64xf32, #tpu.memory_space<vmem>>
    %dma_wait3A_201 = arith.constant 0 : i32
    %dma_wait3A_202 = tpu.memref_slice %arg5[%mul3A_2, %dma_wait3A_201] : memref<16384x64xf32, #tpu.memory_space<hbm>> -> memref<1x64xf32, #tpu.memory_space<hbm>>
    %dma_wait3A_203 = arith.constant 0 : i32
    %dma_wait3A_204 = arith.constant 0 : i32
    %dma_wait3A_205 = tpu.memref_slice %arg9[%dma_wait3A_203, %dma_wait3A_204] : memref<16x64xf32, #tpu.memory_space<vmem>> -> memref<1x64xf32, #tpu.memory_space<vmem>>
    %dma_wait3A_206 = arith.constant 0 : i32
    %dma_wait3A_207 = tpu.memref_slice %arg5[%mul3A_2, %dma_wait3A_206] : memref<16384x64xf32, #tpu.memory_space<hbm>> -> memref<1x64xf32, #tpu.memory_space<hbm>>
    tpu.wait_dma2 semaphore(%arg12 : memref<!tpu.dma_semaphore, #tpu.memory_space<semaphore_mem>>) src(%dma_wait3A_207 : memref<1x64xf32, #tpu.memory_space<hbm>>) dst(%dma_wait3A_205 : memref<1x64xf32, #tpu.memory_space<vmem>>)
    %dma_wait3A_208 = arith.constant 0 : i32
    %dma_wait3A_209 = arith.constant 0 : i32
    %dma_wait3A_210 = tpu.memref_slice %arg9[%dma_wait3A_208, %dma_wait3A_209] : memref<16x64xf32, #tpu.memory_space<vmem>> -> memref<1x64xf32, #tpu.memory_space<vmem>>
    %dma_wait3A_211 = arith.constant 0 : i32
    %dma_wait3A_212 = tpu.memref_slice %arg5[%mul3A_2, %dma_wait3A_211] : memref<16384x64xf32, #tpu.memory_space<hbm>> -> memref<1x64xf32, #tpu.memory_space<hbm>>
    %dma_wait3A_213 = arith.constant 0 : i32
    %dma_wait3A_214 = arith.constant 0 : i32
    %dma_wait3A_215 = tpu.memref_slice %arg9[%dma_wait3A_213, %dma_wait3A_214] : memref<16x64xf32, #tpu.memory_space<vmem>> -> memref<1x64xf32, #tpu.memory_space<vmem>>
    %dma_wait3A_216 = arith.constant 0 : i32
    %dma_wait3A_217 = tpu.memref_slice %arg5[%mul3A_2, %dma_wait3A_216] : memref<16384x64xf32, #tpu.memory_space<hbm>> -> memref<1x64xf32, #tpu.memory_space<hbm>>
    tpu.wait_dma2 semaphore(%arg12 : memref<!tpu.dma_semaphore, #tpu.memory_space<semaphore_mem>>) src(%dma_wait3A_217 : memref<1x64xf32, #tpu.memory_space<hbm>>) dst(%dma_wait3A_215 : memref<1x64xf32, #tpu.memory_space<vmem>>)
    return
  }
}

</mosaic_0001>

<sc_bundles>
// kernel: kernel.3.cloned.1.call-start
scs
__scs_entry_jumppad:
0x0: {  	(pc) =	sbr.rel $0x88, $3  }
0x1: {  	(tag) =	ssettag $0x0;
	lr =	simm.s32 $0x1  }
0x2: {  	[smem:$0x3F9F] =	sst lr;
	_ =	strace $0xD0000000  }
0x3: {  	_ = 	snop  }
0x4: {  	_ = 	snop  }
0x5: {  	_ = 	snop  }
0x6: {  	_ = 	snop  }
0x7: {  	_ = 	snop  }
__scs_overlays_trampoline_lowered:
0x8: {  	[smem:$0x3FAE] =	sst s0  }
0x9: {  	[smem:$0x3FAF] =	sst s1  }
0xa: {  	[smem:$0x3FB0] =	sst s2  }
0xb: {  	[smem:$0x3FB1] =	sst s3  }
0xc: {  	[smem:$0x3FB2] =	sst s4  }
0xd: {  	[smem:$0x3FB3] =	sst s5  }
0xe: {  	[smem:$0x3FB4] =	sst s6  }
0xf: {  	[smem:$0x3FB5] =	sst s7  }
0x10: {  	[smem:$0x3FB6] =	sst s8  }
0x11: {  	[smem:$0x3FB7] =	sst s9;
	s0 =	simm.s32 @!p0 $0x0  }
0x12: {  	s1 =	sld [smem:$0x3F9D];
	s0 =	simm.s32 @p0 $0x1  }
0x13: {  	[smem:$0x3FB8] =	sst s0;
	s0 =	simm.s32 @!p1 $0x0  }
0x14: {  	s2 =	sld [smem:$0x3F9C];
	s0 =	simm.s32 @p1 $0x1  }
0x15: {  	[smem:$0x3FB9] =	sst s0;
	s0 =	simm.s32 @!p2 $0x0  }
0x16: {  	s3 =	sld [smem:$0x3FDB];
	s0 =	simm.s32 @p2 $0x1  }
0x17: {  	s4 =	simm.s32 $0x1BF5;
	[smem:$0x3FBB] =	sst s0  }
0x18: {  	s0 =	sld [smem:$0x3F9E];
	_ =	swait.ge [sflag:s4], $0x0  }
0x19: {  	s7 =	sld [smem:$0x3F9F]  }
0x1a: {  	s8 =	sadd.s32 $0xFFFFE003, lr  }
0x1b: {  	s9 =	sadd.s32 $0xFFFFFEF7, lr;
	s5 =	simm.s32 $0xFFFFFFFF;
	p2 =	slt.u32 s8, $0xFFFFF086  }
0x1c: {  	p1 =	slt.u32 s9, $0xF7A;
	s5 =	simm.s32 @!p2 $0x0  }
0x1d: {  	s5 =	simm.s32 @p1 $0x1;
	p0 =	seq.s32 s7, s2  }
0x1e: {  	s7 =	smul.u32 @!p0 $0xF7A, s2;
	p2 =	seq.s32 @!p0 s5, $0x0  }
0x1f: {  	s9 =	smul.u32 $0xF7A, s1;
	s8 =	simm.s32 @!p0 $0x1BF5;
	p2 =	por !p2, p0  }
0x20: {  	[sflag:s8] =	ssyncset.s32 @!p0 $0xFFFFF086;
	s6 =	sadd.s32 @!p0 s3, s7;
	s7 =	simm.s32 @!p0 $0x108  }
0x21: {  	s3 =	sadd.s32 s3, s9;
	s6 =	sadd.s32 @!p0 $0x88, s6;
	s7 =	simm.s32 @p2 $0x1082  }
0x22: {  	[simem:s7], [sflag:s8] =	dma.local @!p0 [hbm:s6], $0xF7A  }
0x23: {  	s9 =	sor.u32 $0xD0000000, s2;
	s6 =	simm.s32 $0x108;
	_ =	swait.ge @!p0 [sflag:s8], $0x0  }
0x24: {  	s3 =	sadd.s32 $0x88, s3;
	s6 =	simm.s32 @!p1 $0x1082;
	[sflag:s4] =	ssyncset.s32 $0xFFFFF086  }
0x25: {  	[simem:s6], [sflag:s4] =	dma.local [hbm:s3], $0xF7A  }
0x26: {  	[smem:$0x3F9F] =	sst s1;
	(tag) =	ssettag s2;
	_ =	strace s9  }
0x27: {  	s1 =	sld [smem:$0x3FAF]  }
0x28: {  	s2 =	sld [smem:$0x3FB0]  }
0x29: {  	s4 =	sld [smem:$0x3FB2]  }
0x2a: {  	p0 =	seq.s32 s5, $0x0;
	s5 =	sld [smem:$0x3FB3]  }
0x2b: {  	s6 =	sld [smem:$0x3FB4]  }
0x2c: {  	s7 =	sld [smem:$0x3FB5]  }
0x2d: {  	s3 =	simm.s32 $0x108;
	s8 =	sld [smem:$0x3FB6]  }
0x2e: {  	s3 =	simm.s32 @!p0 $0x1082;
	s9 =	sld [smem:$0x3FB7]  }
0x2f: {  	lr =	sadd.s32 s0, s3;
	s0 =	sld [smem:$0x3FAE]  }
0x30: {  	s3 =	sld [smem:$0x3FB1]  }
0x31: {  	[smem:$0x3FBA] =	sst s10  }
0x32: {  	s10 =	sld [smem:$0x3FB8];
	_ =	sdelay $0x3  }
0x33: {  	p0 =	seq.s32 s10, $0x1;
	s10 =	sld [smem:$0x3FBA];
	_ =	sdelay $0x3  }
0x34: {  	[smem:$0x3FBA] =	sst s10  }
0x35: {  	s10 =	sld [smem:$0x3FB9];
	_ =	sdelay $0x3  }
0x36: {  	p1 =	seq.s32 s10, $0x1;
	s10 =	sld [smem:$0x3FBA];
	_ =	sdelay $0x3  }
0x37: {  	[smem:$0x3FBA] =	sst s10  }
0x38: {  	s10 =	sld [smem:$0x3FBB]  }
0x39: {  	_ = 	snop;
	(pc) =	sbr.ind lr, $3  }
0x3a: {  	_ = 	snop  }
0x3b: {  	_ = 	snop  }
0x3c: {  	p2 =	seq.s32 s10, $0x1;
	s10 =	sld [smem:$0x3FBA]  }
0x3d: {  	_ =	shalt  }
0x3e: {  	_ =	shalt  }
0x3f: {  	_ =	shalt  }
0x40: {  	_ =	shalt  }
0x41: {  	_ =	shalt  }
0x42: {  	_ =	shalt  }
0x43: {  	_ =	shalt  }
0x44: {  	_ =	shalt  }
0x45: {  	_ =	shalt  }
0x46: {  	_ =	shalt  }
0x47: {  	_ =	shalt  }
0x48: {  	_ =	shalt  }
0x49: {  	_ =	shalt  }
0x4a: {  	_ =	shalt  }
0x4b: {  	_ =	shalt  }
0x4c: {  	_ =	shalt  }
0x4d: {  	_ =	shalt  }
0x4e: {  	_ =	shalt  }
0x4f: {  	_ =	shalt  }
0x50: {  	_ =	shalt  }
0x51: {  	_ =	shalt  }
0x52: {  	_ =	shalt  }
0x53: {  	_ =	shalt  }
0x54: {  	_ =	shalt  }
0x55: {  	_ =	shalt  }
0x56: {  	_ =	shalt  }
0x57: {  	_ =	shalt  }
0x58: {  	_ =	shalt  }
0x59: {  	_ =	shalt  }
0x5a: {  	_ =	shalt  }
0x5b: {  	_ =	shalt  }
0x5c: {  	_ =	shalt  }
0x5d: {  	_ =	shalt  }
0x5e: {  	_ =	shalt  }
0x5f: {  	_ =	shalt  }
0x60: {  	_ =	shalt  }
0x61: {  	_ =	shalt  }
0x62: {  	_ =	shalt  }
0x63: {  	_ =	shalt  }
0x64: {  	_ =	shalt  }
0x65: {  	_ =	shalt  }
0x66: {  	_ =	shalt  }
0x67: {  	_ =	shalt  }
0x68: {  	_ =	shalt  }
0x69: {  	_ =	shalt  }
0x6a: {  	_ =	shalt  }
0x6b: {  	_ =	shalt  }
0x6c: {  	_ =	shalt  }
0x6d: {  	_ =	shalt  }
0x6e: {  	_ =	shalt  }
0x6f: {  	_ =	shalt  }
0x70: {  	_ =	shalt  }
0x71: {  	_ =	shalt  }
0x72: {  	_ =	shalt  }
0x73: {  	_ =	shalt  }
0x74: {  	_ =	shalt  }
0x75: {  	_ =	shalt  }
0x76: {  	_ =	shalt  }
0x77: {  	_ =	shalt  }
0x78: {  	_ =	shalt  }
0x79: {  	_ =	shalt  }
0x7a: {  	_ =	shalt  }
0x7b: {  	_ =	shalt  }
0x7c: {  	_ =	shalt  }
0x7d: {  	_ =	shalt  }
0x7e: {  	_ =	shalt  }
0x7f: {  	_ =	shalt  }
0x80: {  	_ =	shalt  }
0x81: {  	_ =	shalt  }
0x82: {  	_ =	shalt  }
0x83: {  	_ =	shalt  }
0x84: {  	_ =	shalt  }
0x85: {  	_ =	shalt  }
0x86: {  	_ =	shalt  }
0x87: {  	_ =	shalt  }
.Lfunc_end0:
.L_simem_size_0:
called_computation_lowered:
.L_overlay_start_0:
0x88: {  	s2 =	sld [smem:$0x3FD9]  }
0x89: {  	s3 =	sld [smem:$0x3FFE];
	_ =	sdelay $0x1  }
0x8a: {  	s1 =	srdreg.scid  }
0x8b: {  	s0 =	sand.u32 $0x1, s1  }
0x8c: {  	s17 =	sshll.u32 s0, $0xA;
	s2 =	sadd.s32 s3, s2  }
0x8d: {  	s2 =	sadd.s32 s2, s17  }
0x8e: {  	[smem:$0x3FC6] =	sst s2  }
0x8f: {  	_ = 	snop  }
0x90: {  	s2 =	sld [smem:$0x3FC8]  }
0x91: {  	s18 =	sld [smem:$0x3FD0];
	(tm) =	ssettm $0x1  }
0x92: {  	s4 =	sld [smem:$0x3FFB];
	_ =	sdelay $0x3  }
0x93: {  	_ =	strace s4  }
0x94: {  	s4 =	sld [smem:$0x3FFC];
	_ =	sdelay $0x3  }
0x95: {  	_ =	strace s4  }
0x96: {  	s4 =	sld [smem:$0x3FFD];
	_ =	sdelay $0x3  }
0x97: {  	_ =	strace s4  }
0x98: {  	_ =	strace $0x8FFFFFFF  }
0x99: {  	s19 =	sld [smem:$0x3FDB];
	_ =	sdelay $0x1  }
0x9a: {  	s5 =	simm.s32 $_scs_section_size  }
0x9b: {  	s6 =	simm.s32 $_size__tile_overlayer_lowered;
	s7 =	simm.s32 $_tile_overlayer_lowered  }
0x9c: {  	s22 =	simm.s32 $0x1BFF;
	s21 =	sshll.u32 s7, $0x1;
	s4 =	sadd.s32 s5, s19  }
0x9d: {  	s8 =	simm.s32 $0x0;
	s20 =	sshll.u32 s6, $0x1;
	s6 =	sadd.s32 s21, s4  }
0x9e: {  	[timem:s8], [sflag:s22] =	dma.local [hbm:s6], s20  }
0x9f: {  	_ =	swait.ge [sflag:s22], s20  }
0xa0: {  	s5 =	ssub.s32 $0x0, s20;
	[sflag:s22] =	ssyncset.done $0x0  }
0xa1: {  	[sflag:s22] =	ssyncadd.s32 s5;
	_ =	sdelay $0x1  }
0xa2: {  	s23 =	simm.s32 $0x1B8B  }
0xa3: {  	_ =	swait.ge [sflag:s23], $0x1  }
0xa4: {  	[sflag:s23] =	ssyncset.done $0x0  }
0xa5: {  	s25 =	simm.s32 $0x1B8E;
	s24 =	sld [smem:$0x3FFE];
	[sflag:s23] =	ssyncadd.s32 $0xFFFFFFFF  }
0xa6: {  	s26 =	simm.s32 $execute0_lowered;
	[smem:$0x3FD2] =	sst s25  }
0xa7: {  	s6 =	sshll.u32 s26, $0x1;
	_ =	strace $0x80000046;
	[dreg:$0x1] =	wrdreg $0xFFFFFFFF  }
0xa8: {  	s28 =	simm.s32 $_size_execute0_lowered;
	s4 =	sadd.s32 s4, s6;
	[dreg:$0x0] =	wrdreg $0x0  }
0xa9: {  	s6 =	sshll.u32 s28, $0x1;
	[dreg:$0x2] =	wrdreg s4  }
0xaa: {  	[dreg:$0x3] =	wrdreg s6  }
0xab: {  	[dreg:$0x4] =	wrdreg $0xC0  }
0xac: {  	_ =	task [dreg:s8], $0x5FFFF  }
0xad: {  	[dreg:$0x1] =	wrdreg $0xFFFFFFFF  }
0xae: {  	[dreg:$0x0] =	wrdreg $0x60  }
0xaf: {  	[dreg:$0x2] =	wrdreg s2  }
0xb0: {  	[dreg:$0x3] =	wrdreg s18  }
0xb1: {  	[dreg:$0x4] =	wrdreg s24  }
0xb2: {  	[dreg:$0x5] =	wrdreg $0x9  }
0xb3: {  	_ =	task.clear_ibuf [dreg:s8], $0x6FFFF;
	_ =	strace $0x90000046  }
0xb4: {  	s29 =	simm.s32 $0x9;
	_ =	strace $0x80000048  }
0xb5: {  	_ =	swait.ge [sflag:s29], $0x1  }
0xb6: {  	[sflag:s29] =	ssyncadd.s32 $0xFFFFFFFF  }
0xb7: {  	_ =	strace $0x90000048  }
0xb8: {  	_ =	sfence  }
0xb9: {  	s30 =	sld [smem:$0x0];
	_ =	sdelay $0x2  }
0xba: {  	s31 =	sshll.u32 s1, $0xD;
	s1 =	sshrl.u32 s1, $0x2  }
0xbb: {  	s3 =	sand.u32 $0x4000, s31;
	s1 =	sadd.s32 s1, s30  }
0xbc: {  	s0 =	sor.u32 s3, s0;
	s1 =	sshll.u32 s1, $0x11  }
0xbd: {  	s0 =	sor.u32 s1, s0  }
0xbe: {  	s0 =	sadd.s32 $0x8F2B, s0  }
0xbf: {  	[sflag:s0] =	ssyncadd.remote.s32 $0x1  }
0xc0: {  	_ =	sfence.sel $0xFFFF  }
0xc1: {  	[dreg:$0x0] =	wrdreg $0xFFFFFFFF;
	(pc) =	sbr.abs _section_cstart, $3  }
0xc2: {  	[dreg:$0x1] =	wrdreg $0xFFFFFFFF  }
0xc3: {  	_ =	task.clear_ibuf [dreg:s8], $0x2FFFF;
	_ =	strace $0x9FFFFFFF  }
0xc4: {  	(tm) =	ssettm $0x7FFFFFFF  }
0xc5: {  	_ =	shalt  }
tec
execute0_lowered:
.L_overlay_start_1:
0x0: {  	(tag) =	ssettag $0x1  }
0x1: {  	v0 =	vimm.s32 $0x1B80;
	vm14 =	vcmask $0x300;
	vm13 =	vcmask $0x704  }
0x2: {  	vm12 =	vcmask $0xB08;
	vm11 =	vcmask $0xF0C;
	vm10 =	vcmask $0x1310  }
0x3: {  	vm9 =	vcmask $0x1714;
	vm8 =	vcmask $0x1B18;
	vm7 =	vcmask $0x1F1C  }
0x4: {  	vm6 =	vcmask $0x2320;
	vm5 =	vcmask $0x2724;
	vm4 =	vcmask $0x2B28  }
0x5: {  	vm3 =	vcmask $0x2F2C;
	vm2 =	vcmask $0x3330;
	vm0 =	vcmask $0x3734  }
0x6: {  	vm1 =	vcmask $0x3B38;
	v3 =	vimm.s32 $0x4B80;
	v2 =	vlaneseq.u32  }
0x7: {  	v4 =	vimm.s32 $0x7B80;
	v5 =	vimm.s32 $0xAB80;
	v0 =	vsel vm14, $0x0, v0  }
0x8: {  	v3 =	vsel vm14, $0x3000, v3;
	v4 =	vsel vm14, $0x6000, v4;
	v5 =	vsel vm14, $0x9000, v5  }
0x9: {  	v8 =	vor.u32 $0x30, v2;
	v0 =	vsel vm13, $0x80, v0;
	v3 =	vsel vm13, $0x3080, v3  }
0xa: {  	v4 =	vsel vm13, $0x6080, v4;
	v5 =	vsel vm13, $0x9080, v5;
	v0 =	vsel vm12, $0x100, v0  }
0xb: {  	v3 =	vsel vm12, $0x3100, v3;
	v4 =	vsel vm12, $0x6100, v4;
	v5 =	vsel vm12, $0x9100, v5  }
0xc: {  	v0 =	vsel vm11, $0x180, v0;
	v3 =	vsel vm11, $0x3180, v3;
	v4 =	vsel vm11, $0x6180, v4  }
0xd: {  	v5 =	vsel vm11, $0x9180, v5;
	v0 =	vsel vm10, $0x200, v0;
	v3 =	vsel vm10, $0x3200, v3  }
0xe: {  	v4 =	vsel vm10, $0x6200, v4;
	v5 =	vsel vm10, $0x9200, v5;
	v0 =	vsel vm9, $0x280, v0  }
0xf: {  	v3 =	vsel vm9, $0x3280, v3;
	v4 =	vsel vm9, $0x6280, v4;
	v5 =	vsel vm9, $0x9280, v5  }
0x10: {  	s0 =	rddreg [dreg:$0x0];
	v0 =	vsel vm8, $0x300, v0;
	v3 =	vsel vm8, $0x3300, v3;
	v4 =	vsel vm8, $0x6300, v4  }
0x11: {  	s5 =	rddreg [dreg:$0x1];
	v5 =	vsel vm8, $0x9300, v5;
	v0 =	vsel vm7, $0x380, v0;
	v3 =	vsel vm7, $0x3380, v3  }
0x12: {  	s6 =	rddreg [dreg:$0x2];
	v4 =	vsel vm7, $0x6380, v4;
	v5 =	vsel vm7, $0x9380, v5;
	v0 =	vsel vm6, $0x1800, v0  }
0x13: {  	s1 =	rddreg [dreg:$0x3];
	s2 =	simm.s32 $0x0;
	v3 =	vsel vm6, $0x4800, v3;
	v4 =	vsel vm6, $0x7800, v4;
	v5 =	vsel vm6, $0xA800, v5  }
0x14: {  	s4 =	srdreg.scid;
	s3 =	stileid.u32;
	s11 =	simm.s32 $0x7A1400;
	v0 =	vsel vm5, $0x1880, v0;
	v3 =	vsel vm5, $0x4880, v3;
	v4 =	vsel vm5, $0x7880, v4  }
0x15: {  	s12 =	simm.s32 $0x400;
	s13 =	simm.s32 $0x3;
	s14 =	simm.s32 $0x1;
	v5 =	vsel vm5, $0xA880, v5;
	v0 =	vsel vm4, $0x1900, v0;
	v3 =	vsel vm4, $0x4900, v3  }
0x16: {  	s15 =	simm.s32 $0x18400;
	s16 =	simm.s32 $0x2;
	s17 =	simm.s32 $0xC400;
	v4 =	vsel vm4, $0x7900, v4;
	v5 =	vsel vm4, $0xA900, v5;
	v0 =	vsel vm3, $0x1980, v0  }
0x17: {  	s18 =	simm.s32 $0x0;
	[smem:$0x7FF] =	sst s2;
	s4 =	sand.u32 $0x1, s4;
	v3 =	vsel vm3, $0x4980, v3;
	v4 =	vsel vm3, $0x7980, v4;
	v5 =	vsel vm3, $0xA980, v5  }
.Ltmp0:
0x18: {  	s8 =	sshll.u32 s3, $0x7;
	_ =	strace $0x80000047;
	v0 =	vsel vm2, $0x1A00, v0;
	v3 =	vsel vm2, $0x4A00, v3;
	v4 =	vsel vm2, $0x7A00, v4;
	(pc) =	sbr.rel .LBB2_1-.Ltmp0, $4  }
0x19: {  	s7 =	ssub.s32 $0x2, s4;
	s9 =	sshll.u32 s4, $0x6;
	s4 =	sadd.s32 $0x800, s6;
	v7 =	vsel vm2, $0xAA00, v5;
	v1 =	vsel vm0, $0x1A80, v0;
	v0 =	vimm.s32 $0x1FF  }
0x1a: {  	s10 =	sshrl.u32 s7, $0x1;
	s8 =	sor.u32 s9, s8;
	s9 =	simm.s32 $0x1800;
	v3 =	vsel vm0, $0x4A80, v3;
	v6 =	vsel vm0, $0x7A80, v4;
	v4 =	vor.u32 $0x10, v2  }
0x1b: {  	s7 =	ssub.s32 s7, s10;
	s5 =	sadd.s32 s5, s8;
	s6 =	sadd.s32 s6, s8;
	v7 =	vsel vm0, $0xAA80, v7;
	v1 =	vsel vm1, $0x1B00, v1;
	v3 =	vsel vm1, $0x4B00, v3  }
0x1c: {  	s8 =	simm.s32 $0x200;
	s10 =	simm.s32 $0x4;
	s7 =	smax.u32 s7, $0x1;
	v5 =	vsel vm1, $0x7B00, v6;
	v6 =	vor.u32 $0x20, v2;
	v7 =	vsel vm1, $0xAB00, v7  }
.LBB2_12:
0x1d: {  	_ =	swait.ge [sflag:s13], $0x80  }
0x1e: {  	[sflag:s13] =	ssyncset.done $0x0  }
0x1f: {  	[sflag:s13] =	ssyncadd.s32 $0xFFFFFF80  }
0x20: {  	_ =	swait.ge [sflag:s13], $0x80  }
0x21: {  	[sflag:s13] =	ssyncset.done $0x0  }
0x22: {  	[sflag:s13] =	ssyncadd.s32 $0xFFFFFF80  }
0x23: {  	_ =	swait.ge [sflag:s13], $0x80  }
0x24: {  	[sflag:s13] =	ssyncset.done $0x0  }
0x25: {  	[sflag:s13] =	ssyncadd.s32 $0xFFFFFF80  }
0x26: {  	_ =	swait.ge [sflag:s13], $0x80  }
0x27: {  	[sflag:s13] =	ssyncset.done $0x0  }
0x28: {  	[sflag:s13] =	ssyncadd.s32 $0xFFFFFF80  }
0x29: {  	_ =	swait.ge [sflag:s13], $0x80  }
0x2a: {  	[sflag:s13] =	ssyncset.done $0x0  }
0x2b: {  	[sflag:s13] =	ssyncadd.s32 $0xFFFFFF80  }
0x2c: {  	_ =	swait.ge [sflag:s13], $0x80  }
0x2d: {  	[sflag:s13] =	ssyncset.done $0x0  }
0x2e: {  	[sflag:s13] =	ssyncadd.s32 $0xFFFFFF80  }
0x2f: {  	_ =	swait.ge [sflag:s13], $0x80  }
0x30: {  	[sflag:s13] =	ssyncset.done $0x0  }
0x31: {  	[sflag:s13] =	ssyncadd.s32 $0xFFFFFF80  }
0x32: {  	_ =	swait.ge [sflag:s13], $0x80  }
0x33: {  	[sflag:s13] =	ssyncset.done $0x0  }
0x34: {  	[sflag:s13] =	ssyncadd.s32 $0xFFFFFF80  }
0x35: {  	_ =	swait.ge [sflag:s13], $0x80  }
0x36: {  	[sflag:s13] =	ssyncset.done $0x0  }
0x37: {  	[sflag:s13] =	ssyncadd.s32 $0xFFFFFF80  }
0x38: {  	_ =	swait.ge [sflag:s13], $0x80  }
0x39: {  	[sflag:s13] =	ssyncset.done $0x0  }
0x3a: {  	[sflag:s13] =	ssyncadd.s32 $0xFFFFFF80  }
0x3b: {  	_ =	swait.ge [sflag:s13], $0x80  }
0x3c: {  	[sflag:s13] =	ssyncset.done $0x0  }
0x3d: {  	[sflag:s13] =	ssyncadd.s32 $0xFFFFFF80  }
0x3e: {  	_ =	swait.ge [sflag:s13], $0x80  }
0x3f: {  	[sflag:s13] =	ssyncset.done $0x0  }
0x40: {  	[sflag:s13] =	ssyncadd.s32 $0xFFFFFF80  }
0x41: {  	_ =	swait.ge [sflag:s13], $0x80  }
0x42: {  	[sflag:s13] =	ssyncset.done $0x0  }
0x43: {  	[sflag:s13] =	ssyncadd.s32 $0xFFFFFF80  }
0x44: {  	_ =	swait.ge [sflag:s13], $0x80  }
0x45: {  	[sflag:s13] =	ssyncset.done $0x0  }
0x46: {  	s18 =	sadd.s32 $0x1, s18;
	[sflag:s13] =	ssyncadd.s32 $0xFFFFFF80  }
0x47: {  	p0 =	sne.s32 s18, s7;
	_ =	swait.ge [sflag:s13], $0x80  }
.Ltmp1:
0x48: {  	[sflag:s13] =	ssyncset.done $0x0;
	(pc) =	sbr.rel @!p0 .LBB2_13-.Ltmp1, $4  }
0x49: {  	[sflag:s13] =	ssyncadd.s32 $0xFFFFFF80  }
0x4a: {  	_ =	swait.ge [sflag:s13], $0x80  }
0x4b: {  	[sflag:s13] =	ssyncset.done $0x0  }
0x4c: {  	[sflag:s13] =	ssyncadd.s32 $0xFFFFFF80  }
.LBB2_1:
0x4d: {  	[tilespmem:s2], [sflag:$0x4] =	stream.linear.gather [hbm4b:s5+s2], $0x200, $0x38;
	[tilespmem:$0x18C00] =	vst v63  }
0x4e: {  	_ =	swait.ge [sflag:s10], $0x200  }
0x4f: {  	[sflag:s10] =	ssyncset.done $0x0  }
0x50: {  	[sflag:s10] =	ssyncadd.s32 $0xFFFFFE00  }
0x51: {  	[tilespmem:s8], [sflag:$0x4] =	stream.linear.gather [hbm4b:s6+s2], $0x200, $0x38;
	[tilespmem:$0x18C00] =	vst v63  }
0x52: {  	_ =	swait.ge [sflag:s10], $0x200  }
0x53: {  	[sflag:s10] =	ssyncset.done $0x0  }
0x54: {  	[sflag:s10] =	ssyncadd.s32 $0xFFFFFE00  }
0x55: {  	v9 =	vld.msk [tilespmem:s2+$0x0], $0xffff;
	_ =	sdelay $0x2  }
0x56: {  	v10 =	vld.idx.msk [tilespmem:v0+s2+$0x0], $0xffff;
	_ =	sdelay $0x1  }
0x57: {  	(v2sf) =	vpush v9, $0x0;
	_ =	sdelay $0x2  }
0x58: {  	(v2sf) =	vpush v10, $0x0;
	_ =	sdelay $0xb  }
0x59: {  	s21 =	spop (v2sf)  }
0x5a: {  	s19 =	sshra.s32 s21, $0x7  }
0x5b: {  	p0 =	slt.s32 s19, $0x1E7F;
	s20 =	smov.u32 s19  }
0x5c: {  	s22 =	spop (v2sf);
	s20 =	simm.s32 @!p0 $0x1E7F  }
0x5d: {  	s22 =	sshra.s32 s22, $0x7;
	s20 =	sshll.u32 s20, $0x7  }
0x5e: {  	s23 =	sand.u32 $0x1FFFFF80, s20;
	s20 =	ssub.s32 s22, s19  }
0x5f: {  	p0 =	slt.s32 s20, $0xFFFFFFFB  }
.Ltmp2:
0x60: {  	_ = 	snop;
	(pc) =	sbr.rel @p0 .LBB2_12-.Ltmp2, $3  }
0x61: {  	_ =	sdelay $0x1  }
0x62: {  	s31 =	sadd.s32 s0, s23  }
0x63: {  	[tilespmem:s12], [sflag:$0x1] =	stream.strided.gather [hbm4b:s31+s9], $0xC000, s11, s9, $0x38;
	[tilespmem:$0x18C00] =	vst v63  }
0x64: {  	s22 =	smulhi.u32 $0x2AAAAAAB, s20;
	s31 =	sshra.s32 s20, $0x1F  }
0x65: {  	s20 =	smul.u32 $0x2AAAAAAB, s31;
	_ =	sdelay $0x1  }
0x66: {  	s20 =	sadd.s32 s20, s22  }
.Ltmp3:
0x67: {  	s22 =	sshrl.u32 s20, $0x1F;
	(pc) =	sbr.rel .LBB2_3-.Ltmp3, $4  }
0x68: {  	s20 =	sadd.s32 s22, s20  }
0x69: {  	p0 =	sgt.s32 s20, $0x0;
	s22 =	smov.u32 s20  }
0x6a: {  	s21 =	sand.u32 $0xFFFFFF80, s21;
	s22 =	simm.s32 @!p0 $0x0  }
0x6b: {  	s23 =	simm.s32 $0x0;
	s25 =	simm.s32 $0x0;
	s22 =	sadd.s32 $0x1, s22  }
.LBB2_6:
0x6c: {  	s24 =	smov.u32 @p0 s24  }
0x6d: {  	s23 =	smov.u32 @p0 s23;
	s25 =	smov.u32 s24  }
.LBB2_11:
0x6e: {  	p0 =	sne.s32 s25, s22  }
.Ltmp4:
0x6f: {  	_ = 	snop;
	(pc) =	sbr.rel @!p0 .LBB2_12-.Ltmp4, $1  }
0x70: {  	_ =	sdelay $0x3  }
.LBB2_3:
0x71: {  	s24 =	sand.u32 $0x1, s25  }
0x72: {  	p1 =	seq.s32 s24, $0x1  }
.Ltmp5:
0x73: {  	_ = 	snop;
	(pc) =	sbr.rel @p1 .LBB2_8-.Ltmp5, $2  }
0x74: {  	_ =	sdelay $0x2  }
0x75: {  	p0 =	sge.s32 s25, s20  }
0x76: {  	s24 =	sor.u32 $0x1, s25  }
0x77: {  	s26 =	smul.u32 @!p0 $0x6, s24;
	_ =	sdelay $0x1  }
0x78: {  	s26 =	sadd.s32 @!p0 s19, s26  }
0x79: {  	p1 =	slt.s32 @!p0 s26, $0x1E7F  }
0x7a: {  	p1 =	por !p1, p0  }
0x7b: {  	s26 =	simm.s32 @p1 $0x1E7F  }
0x7c: {  	s28 =	simm.s32 @!p0 $0x1800;
	s31 =	smul.u32 $0x6, s25;
	s26 =	sshll.u32 @!p0 s26, $0x7  }
0x7d: {  	s29 =	simm.s32 @!p0 $0x7A1400;
	s26 =	sand.u32 @!p0 $0x1FFFFF80, s26  }
0x7e: {  	s30 =	simm.s32 @!p0 $0xC400;
	s25 =	sadd.s32 s19, s31;
	s26 =	sadd.s32 @!p0 s0, s26  }
0x7f: {  	[tilespmem:s30], [sflag:$0x2] =	stream.strided.gather @!p0 [hbm4b:s26+s28], $0xC000, s29, s28, $0x38;
	[tilespmem:$0x18C00] =	vst v63  }
0x80: {  	s31 =	smul.u32 $0x300, s24;
	p0 =	slt.s32 s25, $0x1E7F;
	_ =	swait.ge [sflag:s14], $0xC000  }
0x81: {  	s25 =	simm.s32 @!p0 $0x1E7F;
	[sflag:s14] =	ssyncset.done $0x0  }
0x82: {  	s26 =	sadd.s32 s21, s31;
	s25 =	sshll.u32 s25, $0x7;
	[sflag:s14] =	ssyncadd.s32 $0xFFFF4000  }
.LBB2_5:
0x83: {  	p0 =	slt.s32 s23, $0x1FF;
	s28 =	smov.u32 s23  }
0x84: {  	s28 =	simm.s32 @!p0 $0x1FF  }
0x85: {  	v9 =	vmov s28;
	_ =	sdelay $0x4  }
0x86: {  	v9 =	vld.idx.msk [tilespmem:v9+s2+$0x0], $0xffff;
	_ =	sdelay $0x4  }
0x87: {  	(v2sf) =	vpush v9, $0x0;
	_ =	sdelay $0xe  }
0x88: {  	p0 =	sgt.s32 s23, $0x1FF;
	s28 =	spop (v2sf)  }
0x89: {  	p1 =	sge.s32 @!p0 s28, s26  }
0x8a: {  	p1 =	por p0, p1  }
.Ltmp6:
0x8b: {  	_ = 	snop;
	(pc) =	sbr.rel @p1 .LBB2_6-.Ltmp6, $1  }
0x8c: {  	_ =	sdelay $0x3  }
0x8d: {  	v9 =	vmov s23;
	_ =	sdelay $0x4  }
0x8e: {  	v10 =	vld.idx.msk [tilespmem:v9+s2+$0x0], $0xffff;
	_ =	sdelay $0x4  }
0x8f: {  	(v2sf) =	vpush v10, $0x0;
	_ =	sdelay $0xe  }
0x90: {  	s28 =	spop (v2sf)  }
0x91: {  	s28 =	ssub.s32 s28, s25  }
0x92: {  	v10 =	vmov s28  }
0x93: {  	v11 =	vshll.u32 v10, $0x3  }
0x94: {  	v10 =	vand.u32 $0x7F, v10;
	v11 =	vand.u32 $0xFFFFFC00, v11  }
0x95: {  	s30 =	sshra.s32 s23, $0x1F;
	v10 =	vor.u32 v10, v11  }
0x96: {  	s28 =	sshrl.u32 s30, $0x1C;
	v11 =	vadd.s32 v1, v10  }
0x97: {  	s28 =	sadd.s32 s28, s23  }
0x98: {  	s28 =	sand.u32 $0xFFFFFFF0, s28  }
0x99: {  	s28 =	ssub.s32 s23, s28  }
0x9a: {  	s29 =	sshll.u32 s28, $0x7  }
0x9b: {  	v12 =	vor.u32 s29, v2;
	v11 =	vld.idx.msk [tilespmem:v11+s12+$0x0], $0xffff  }
0x9c: {  	v13 =	vadd.s32 v3, v10;
	_ =	sdelay $0x1  }
0x9d: {  	v9 =	vld.idx.msk [tilespmem:v9+s8+$0x0], $0xffff;
	_ =	sdelay $0x1  }
0x9e: {  	[tilespmem:v12+s15+$0x0] =	vst.idx.msk $0xffff, v11  }
0x9f: {  	v62 =	vor.u32 s29, v4;
	v11 =	vld.idx.msk [tilespmem:v13+s12+$0x0], $0xffff  }
0xa0: {  	v63 =	vadd.s32 v5, v10  }
0xa1: {  	(v2sf) =	vpush v9, $0x0;
	_ =	sdelay $0x2  }
0xa2: {  	[tilespmem:v62+s15+$0x0] =	vst.idx.msk $0xffff, v11  }
0xa3: {  	v11 =	vor.u32 s29, v6;
	v9 =	vld.idx.msk [tilespmem:v63+s12+$0x0], $0xffff  }
0xa4: {  	v10 =	vadd.s32 v7, v10;
	_ =	sdelay $0x3  }
0xa5: {  	[tilespmem:v11+s15+$0x0] =	vst.idx.msk $0xffff, v9  }
0xa6: {  	v9 =	vld.idx.msk [tilespmem:v10+s12+$0x0], $0xffff;
	v10 =	vor.u32 s29, v8;
	_ =	sdelay $0x2  }
0xa7: {  	p0 =	slt.s32 s23, $0x10  }
0xa8: {  	s30 =	simm.s32 @!p0 $0x3  }
.Ltmp7:
0xa9: {  	s23 =	sadd.s32 $0x1, s23;
	s31 =	spop (v2sf);
	[tilespmem:v10+s15+$0x0] =	vst.idx.msk $0xffff, v9;
	(pc) =	sbr.rel .LBB2_5-.Ltmp7, $4  }
0xaa: {  	s28 =	sshll.u32 s28, $0x9;
	s29 =	sshll.u32 s31, $0x4;
	_ =	swait.ge @!p0 [sflag:s30], $0x80  }
0xab: {  	s28 =	sshra.s32 s28, $0x2;
	s29 =	sand.u32 $0x1FFFFFF0, s29;
	[sflag:s30] =	ssyncset.done @!p0 $0x0  }
0xac: {  	s28 =	sadd.s32 $0x18400, s28;
	s29 =	sadd.s32 s4, s29;
	[sflag:s30] =	ssyncadd.s32 @!p0 $0xFFFFFF80  }
0xad: {  	[hbm4b:s29+s2] =	stream.linear.scatter [tilespmem:s28], [sflag:$0x3], $0x80, $0x38;
	[tilespmem:$0x18C00] =	vst v63  }
.LBB2_8:
0xae: {  	s24 =	sadd.s32 $0x1, s25  }
0xaf: {  	s26 =	smul.u32 @!p0 $0x6, s24;
	_ =	sdelay $0x1  }
0xb0: {  	s26 =	sadd.s32 @!p0 s19, s26  }
0xb1: {  	p1 =	slt.s32 @!p0 s26, $0x1E7F  }
0xb2: {  	p1 =	por !p1, p0  }
0xb3: {  	s26 =	simm.s32 @p1 $0x1E7F  }
0xb4: {  	s28 =	simm.s32 @!p0 $0x1800;
	s31 =	smul.u32 $0x6, s25;
	s26 =	sshll.u32 @!p0 s26, $0x7  }
0xb5: {  	s29 =	simm.s32 @!p0 $0x7A1400;
	s26 =	sand.u32 @!p0 $0x1FFFFF80, s26  }
0xb6: {  	s30 =	simm.s32 @!p0 $0x400;
	s25 =	sadd.s32 s19, s31;
	s26 =	sadd.s32 @!p0 s0, s26  }
0xb7: {  	[tilespmem:s30], [sflag:$0x1] =	stream.strided.gather @!p0 [hbm4b:s26+s28], $0xC000, s29, s28, $0x38;
	[tilespmem:$0x18C00] =	vst v63  }
0xb8: {  	s31 =	smul.u32 $0x300, s24;
	p0 =	slt.s32 s25, $0x1E7F;
	_ =	swait.ge [sflag:s16], $0xC000  }
0xb9: {  	s25 =	simm.s32 @!p0 $0x1E7F;
	[sflag:s16] =	ssyncset.done $0x0  }
0xba: {  	s26 =	sadd.s32 s21, s31;
	s25 =	sshll.u32 s25, $0x7;
	[sflag:s16] =	ssyncadd.s32 $0xFFFF4000  }
.LBB2_9:
0xbb: {  	p0 =	slt.s32 s23, $0x1FF;
	s28 =	smov.u32 s23  }
0xbc: {  	s28 =	simm.s32 @!p0 $0x1FF  }
0xbd: {  	v9 =	vmov s28;
	_ =	sdelay $0x4  }
0xbe: {  	v9 =	vld.idx.msk [tilespmem:v9+s2+$0x0], $0xffff;
	_ =	sdelay $0x4  }
0xbf: {  	(v2sf) =	vpush v9, $0x0;
	_ =	sdelay $0xe  }
0xc0: {  	p0 =	sgt.s32 s23, $0x1FF;
	s28 =	spop (v2sf)  }
0xc1: {  	p1 =	sge.s32 @!p0 s28, s26  }
0xc2: {  	p1 =	por p0, p1  }
.Ltmp8:
0xc3: {  	_ = 	snop;
	(pc) =	sbr.rel @p1 .LBB2_10-.Ltmp8, $1  }
0xc4: {  	_ =	sdelay $0x3  }
0xc5: {  	v9 =	vmov s23;
	_ =	sdelay $0x4  }
0xc6: {  	v10 =	vld.idx.msk [tilespmem:v9+s2+$0x0], $0xffff;
	_ =	sdelay $0x4  }
0xc7: {  	(v2sf) =	vpush v10, $0x0;
	_ =	sdelay $0xe  }
0xc8: {  	s28 =	spop (v2sf)  }
0xc9: {  	s28 =	ssub.s32 s28, s25  }
0xca: {  	v10 =	vmov s28  }
0xcb: {  	v11 =	vshll.u32 v10, $0x3  }
0xcc: {  	v10 =	vand.u32 $0x7F, v10;
	v11 =	vand.u32 $0xFFFFFC00, v11  }
0xcd: {  	s30 =	sshra.s32 s23, $0x1F;
	v10 =	vor.u32 v10, v11  }
0xce: {  	s28 =	sshrl.u32 s30, $0x1C;
	v11 =	vadd.s32 v1, v10  }
0xcf: {  	s28 =	sadd.s32 s28, s23  }
0xd0: {  	s28 =	sand.u32 $0xFFFFFFF0, s28  }
0xd1: {  	s28 =	ssub.s32 s23, s28  }
0xd2: {  	s29 =	sshll.u32 s28, $0x7  }
0xd3: {  	v12 =	vor.u32 s29, v2;
	v11 =	vld.idx.msk [tilespmem:v11+s17+$0x0], $0xffff  }
0xd4: {  	v13 =	vadd.s32 v3, v10;
	_ =	sdelay $0x1  }
0xd5: {  	v9 =	vld.idx.msk [tilespmem:v9+s8+$0x0], $0xffff;
	_ =	sdelay $0x1  }
0xd6: {  	[tilespmem:v12+s15+$0x0] =	vst.idx.msk $0xffff, v11  }
0xd7: {  	v62 =	vor.u32 s29, v4;
	v11 =	vld.idx.msk [tilespmem:v13+s17+$0x0], $0xffff  }
0xd8: {  	v63 =	vadd.s32 v5, v10  }
0xd9: {  	(v2sf) =	vpush v9, $0x0;
	_ =	sdelay $0x2  }
0xda: {  	[tilespmem:v62+s15+$0x0] =	vst.idx.msk $0xffff, v11  }
0xdb: {  	v11 =	vor.u32 s29, v6;
	v9 =	vld.idx.msk [tilespmem:v63+s17+$0x0], $0xffff  }
0xdc: {  	v10 =	vadd.s32 v7, v10;
	_ =	sdelay $0x3  }
0xdd: {  	[tilespmem:v11+s15+$0x0] =	vst.idx.msk $0xffff, v9  }
0xde: {  	v9 =	vld.idx.msk [tilespmem:v10+s17+$0x0], $0xffff;
	v10 =	vor.u32 s29, v8;
	_ =	sdelay $0x2  }
0xdf: {  	p0 =	slt.s32 s23, $0x10  }
0xe0: {  	s30 =	simm.s32 @!p0 $0x3  }
.Ltmp9:
0xe1: {  	s23 =	sadd.s32 $0x1, s23;
	s31 =	spop (v2sf);
	[tilespmem:v10+s15+$0x0] =	vst.idx.msk $0xffff, v9;
	(pc) =	sbr.rel .LBB2_9-.Ltmp9, $4  }
0xe2: {  	s28 =	sshll.u32 s28, $0x9;
	s29 =	sshll.u32 s31, $0x4;
	_ =	swait.ge @!p0 [sflag:s30], $0x80  }
0xe3: {  	s28 =	sshra.s32 s28, $0x2;
	s29 =	sand.u32 $0x1FFFFFF0, s29;
	[sflag:s30] =	ssyncset.done @!p0 $0x0  }
0xe4: {  	s28 =	sadd.s32 $0x18400, s28;
	s29 =	sadd.s32 s4, s29;
	[sflag:s30] =	ssyncadd.s32 @!p0 $0xFFFFFF80  }
0xe5: {  	[hbm4b:s29+s2] =	stream.linear.scatter [tilespmem:s28], [sflag:$0x3], $0x80, $0x38;
	[tilespmem:$0x18C00] =	vst v63  }
.LBB2_10:
.Ltmp10:
0xe6: {  	(pc) =	sbr.rel .LBB2_11-.Ltmp10, $3  }
0xe7: {  	_ =	sdelay $0x1  }
0xe8: {  	s24 =	smov.u32 @p0 s24  }
0xe9: {  	s23 =	smov.u32 @p0 s23;
	s25 =	smov.u32 s24  }
.LBB2_13:
0xea: {  	_ =	sfence.sel $0x180000  }
0xeb: {  	[bflag:$0x0] =	sbarrier.arrive $0xFFFF  }
0xec: {  	p0 =	sne.s32 s3, $0x0;
	_ =	strace $0x90000047  }
0xed: {  	s0 =	sadd.s32 @!p0 $0x100000, s1;
	[bflag:$0x2] =	sbarrier.arrive $0xFFFF  }
0xee: {  	[sflag:s0] =	ssyncadd.tile.s32 @!p0 $0x1;
	_ =	shalt  }
.Lfunc_end2:
_tile_overlayer_lowered:
.L_overlay_start_2:
0xef: {  	(tag) =	ssettag $0x2  }
0xf0: {  	s0 =	rddreg [dreg:$0x0];
	s2 =	stileid.u32  }
0xf1: {  	s1 =	rddreg [dreg:$0x1];
	p0 =	sne.s32 s2, $0x0  }
0xf2: {  	s3 =	rddreg [dreg:$0x2];
	[bflag:$0x3] =	sbarrier.arrive $0xFFFF;
	s2 =	simm.s32 @!p0 $0x1C04  }
0xf3: {  	[timem:s3], [sflag:s2] =	dma.local @!p0 [hbm:s0], s1  }
0xf4: {  	s0 =	simm.s32 @!p0 $0x4  }
0xf5: {  	_ =	swait.ge @!p0 [sflag:s0], s1  }
0xf6: {  	s1 =	ssub.s32 @!p0 $0x0, s1;
	[sflag:s0] =	ssyncset.done @!p0 $0x0  }
0xf7: {  	[sflag:s0] =	ssyncadd.s32 @!p0 s1  }
0xf8: {  	[bflag:$0x3] =	sbarrier.arrive $0xFFFF  }
0xf9: {  	_ =	shalt  }

</sc_bundles>
